<compile_context>
chip_gen: v7x
topology: tpu7x:2x2x1
jax: 0.10.2.dev20260603
libtpu: 0.0.44.dev20260713+nightly
codegen_flags: <defaults>
</compile_context>

<pallas_src>
import functools

import jax
import numpy as np
import jax.numpy as jnp
from jax import lax
from jax.experimental import pallas as pl
from jax.experimental.pallas import tpu as pltpu
from jax.experimental.pallas import tpu_sc as plsc

N = 10000
E = 320000
D = 128
K = 2

NC = 2
NS = 16
NW = NC * NS
EW = E // NW
C = 112
NCHUNK = 90
EWP = NCHUNK * C
EP = NW * EWP
NP = 10240
RPW = NP // NS
DEGW = 16

_mesh = plsc.VectorSubcoreMesh(core_axis_name="c", subcore_axis_name="s")


@functools.partial(
    pl.kernel,
    out_type=jax.ShapeDtypeStruct((NW, NP), jnp.float32),
    mesh=_mesh,
    compiler_params=pltpu.CompilerParams(needs_layout_passes=False),
    scratch_types=[
        pltpu.VMEM((EW,), jnp.int32),
        pltpu.VMEM((NP,), jnp.float32),
    ],
)
def _sc_deg(dst_hbm, zerosflat_hbm, out_hbm, dst_v, deg_v):
    c = lax.axis_index("c")
    s = lax.axis_index("s")
    wid = c * NS + s
    pltpu.sync_copy(dst_hbm.at[pl.ds(wid * EW, EW)], dst_v)
    pltpu.sync_copy(zerosflat_hbm, deg_v)
    ones16 = jnp.ones((16,), jnp.float32)

    def body(i, _):
        ids = dst_v[pl.ds(i * 16, 16)]
        plsc.addupdate_scatter(deg_v, [ids], ones16)
        return 0

    lax.fori_loop(0, EW // 16, body, 0)
    pltpu.sync_copy(deg_v, out_hbm.at[wid])


IB = 5
NBLK = NCHUNK // IB


@functools.partial(
    pl.kernel,
    out_type=jax.ShapeDtypeStruct((NC, NP, D), jnp.float32),
    mesh=_mesh,
    scratch_types=[
        pltpu.VMEM((2, IB, C), jnp.int32),
        pltpu.VMEM((2, IB, C), jnp.int32),
        pltpu.VMEM((3, C, D), jnp.float32),
        pltpu.SemaphoreType.DMA((2,)),
        pltpu.SemaphoreType.DMA((3,)),
        pltpu.SemaphoreType.DMA((3,)),
        pltpu.VMEM_SHARED((NP, D), jnp.float32),
    ],
)
def _sc_hop(rst_hbm, src_hbm, dst_hbm, zeros_hbm, out_hbm,
            sidx_v, didx_v, rows_v, isem, gsem, ssem, agg_sp):
    c = lax.axis_index("c")
    s = lax.axis_index("s")
    wid = c * NS + s
    pltpu.sync_copy(zeros_hbm, agg_sp.at[pl.ds(s * RPW, RPW)])
    pltpu.sync_copy(src_hbm.at[wid, 0], sidx_v.at[0])
    pltpu.sync_copy(dst_hbm.at[wid, 0], didx_v.at[0])
    pltpu.async_copy(src_hbm.at[wid, 1], sidx_v.at[1], isem.at[1])
    pltpu.async_copy(dst_hbm.at[wid, 1], didx_v.at[1], isem.at[1])
    plsc.subcore_barrier()

    pltpu.async_copy(rst_hbm.at[sidx_v.at[0, 0]], rows_v.at[0], gsem.at[0])
    pltpu.async_copy(rst_hbm.at[sidx_v.at[0, 1]], rows_v.at[1], gsem.at[1])

    def body(i, _):
        b = i // IB
        r = lax.rem(i, IB)
        jb = lax.rem(b, 2)
        j = lax.rem(i, 3)
        pltpu.make_async_copy(rst_hbm.at[sidx_v.at[jb, r]], rows_v.at[j],
                              gsem.at[j]).wait()
        pltpu.async_copy(rows_v.at[j], agg_sp.at[didx_v.at[jb, r]],
                         ssem.at[j], add=True)

        @pl.when(jnp.logical_and(r == IB - 2, b + 1 < NBLK))
        def _():
            nb = lax.rem(b + 1, 2)
            pltpu.make_async_copy(src_hbm.at[wid, b + 1], sidx_v.at[nb],
                                  isem.at[nb]).wait()
            pltpu.make_async_copy(dst_hbm.at[wid, b + 1], didx_v.at[nb],
                                  isem.at[nb]).wait()

        @pl.when(jnp.logical_and(i >= 1, i + 2 < NCHUNK))
        def _():
            ip = i - 1
            j2 = lax.rem(i + 2, 3)
            pltpu.make_async_copy(
                rows_v.at[j2],
                agg_sp.at[didx_v.at[lax.rem(ip // IB, 2), lax.rem(ip, IB)]],
                ssem.at[j2]).wait()
            i2 = i + 2
            pltpu.async_copy(rst_hbm.at[sidx_v.at[lax.rem(i2 // IB, 2),
                                                  lax.rem(i2, IB)]],
                             rows_v.at[j2], gsem.at[j2])

        @pl.when(i == 0)
        def _():
            pltpu.async_copy(rst_hbm.at[sidx_v.at[0, 2]], rows_v.at[2],
                             gsem.at[2])

        @pl.when(jnp.logical_and(r == 0,
                                 jnp.logical_and(b >= 1, b + 1 < NBLK)))
        def _():
            nb = lax.rem(b + 1, 2)
            pltpu.async_copy(src_hbm.at[wid, b + 1], sidx_v.at[nb],
                             isem.at[nb])
            pltpu.async_copy(dst_hbm.at[wid, b + 1], didx_v.at[nb],
                             isem.at[nb])

        return 0

    lax.fori_loop(0, NCHUNK, body, 0)
    for k in (NCHUNK - 3, NCHUNK - 2, NCHUNK - 1):
        pltpu.make_async_copy(
            rows_v.at[k % 3],
            agg_sp.at[didx_v.at[(k // IB) % 2, k % IB]],
            ssem.at[k % 3]).wait()
    plsc.subcore_barrier()
    pltpu.sync_copy(agg_sp.at[pl.ds(s * RPW, RPW)],
                    out_hbm.at[c].at[pl.ds(s * RPW, RPW)])


DR = NP // D


def _degsum_body(dp_ref, out_ref):
    out_ref[...] = jnp.sum(dp_ref[...], axis=0)


def _tc_degsum(dp):
    return pl.pallas_call(
        _degsum_body,
        out_shape=jax.ShapeDtypeStruct((DR, D), jnp.float32),
    )(dp.reshape(NW, DR, D))


_R = 2000


def _prep_body(deg_ref, feat_ref, norm_ref, rst_ref):
    nrm = lax.rsqrt(jnp.maximum(deg_ref[...], 1.0))
    norm_ref[...] = nrm
    rst_ref[...] = feat_ref[...] * nrm


def _tc_prep(deg, feat):
    return pl.pallas_call(
        _prep_body,
        grid=(N // _R,),
        in_specs=[
            pl.BlockSpec((_R, 1), lambda i: (i, 0)),
            pl.BlockSpec((_R, D), lambda i: (i, 0)),
        ],
        out_specs=[
            pl.BlockSpec((_R, 1), lambda i: (i, 0)),
            pl.BlockSpec((_R, D), lambda i: (i, 0)),
        ],
        out_shape=[
            jax.ShapeDtypeStruct((N, 1), jnp.float32),
            jax.ShapeDtypeStruct((N, D), jnp.float32),
        ],
    )(deg, feat)


def _mid_body(p0_ref, p1_ref, norm_ref, h_ref, rst_ref):
    nrm = norm_ref[...]
    h = (p0_ref[0] + p1_ref[0]) * nrm
    h_ref[...] = h
    rst_ref[...] = h * nrm


def _tc_mid(p, norm):
    return pl.pallas_call(
        _mid_body,
        grid=(N // _R,),
        in_specs=[
            pl.BlockSpec((1, _R, D), lambda i: (0, i, 0)),
            pl.BlockSpec((1, _R, D), lambda i: (1, i, 0)),
            pl.BlockSpec((_R, 1), lambda i: (i, 0)),
        ],
        out_specs=[
            pl.BlockSpec((_R, D), lambda i: (i, 0)),
            pl.BlockSpec((_R, D), lambda i: (i, 0)),
        ],
        out_shape=[
            jax.ShapeDtypeStruct((N, D), jnp.float32),
            jax.ShapeDtypeStruct((N, D), jnp.float32),
        ],
    )(p, p, norm)


def _final_body(p0_ref, p1_ref, norm_ref, feat_ref, h1_ref,
                w0_ref, w1_ref, w2_ref, b_ref, out_ref):
    h2 = (p0_ref[0] + p1_ref[0]) * norm_ref[...]
    acc = jnp.dot(feat_ref[...], w0_ref[...],
                  preferred_element_type=jnp.float32)
    acc += jnp.dot(h1_ref[...], w1_ref[...],
                   preferred_element_type=jnp.float32)
    acc += jnp.dot(h2, w2_ref[...], preferred_element_type=jnp.float32)
    out_ref[...] = acc + b_ref[...]


def _tc_final(p, norm, feat, h1, w0, w1, w2, b2d):
    OUT = w0.shape[1]
    return pl.pallas_call(
        _final_body,
        grid=(N // _R,),
        in_specs=[
            pl.BlockSpec((1, _R, D), lambda i: (0, i, 0)),
            pl.BlockSpec((1, _R, D), lambda i: (1, i, 0)),
            pl.BlockSpec((_R, 1), lambda i: (i, 0)),
            pl.BlockSpec((_R, D), lambda i: (i, 0)),
            pl.BlockSpec((_R, D), lambda i: (i, 0)),
            pl.BlockSpec((D, OUT), lambda i: (0, 0)),
            pl.BlockSpec((D, OUT), lambda i: (0, 0)),
            pl.BlockSpec((D, OUT), lambda i: (0, 0)),
            pl.BlockSpec((1, OUT), lambda i: (0, 0)),
        ],
        out_specs=pl.BlockSpec((_R, OUT), lambda i: (i, 0)),
        out_shape=jax.ShapeDtypeStruct((N, OUT), jnp.float32),
    )(p, p, norm, feat, h1, w0, w1, w2, b2d)


def kernel(feat, edge_index, W, b):
    npad = EP - E
    pad_src = jnp.asarray(np.arange(npad, dtype=np.int32) % N)
    pad_dst = jnp.asarray(N + np.arange(npad, dtype=np.int32) % (NP - N))
    src = jnp.concatenate([edge_index[0], pad_src]).reshape(NW, NBLK, IB, C)
    dst = jnp.concatenate([edge_index[1], pad_dst]).reshape(NW, NBLK, IB, C)
    zerosflat = jnp.zeros((NP,), jnp.float32)
    zeros = jnp.zeros((RPW, D), jnp.float32)

    dp = _sc_deg(edge_index[1], zerosflat)
    deg = _tc_degsum(dp).reshape(NP, 1)[:N]
    norm, rst = _tc_prep(deg, feat)

    p = _sc_hop(rst, src, dst, zeros)
    h1, rst1 = _tc_mid(p, norm)

    p2 = _sc_hop(rst1, src, dst, zeros)

    w0, w1, w2 = W[:D], W[D:2 * D], W[2 * D:]
    return _tc_final(p2, norm, feat, h1, w0, w1, w2,
                     b.reshape(1, -1))

# --- scband reference (transcript-rebuilt; emitter-appended) ---
"""Pipeline reference for scband-tagconv-5205500363145 (READ-ONLY COPY).

The authoritative reference and input builder live on the scoring server;
editing this copy changes nothing except your own understanding.
"""

import jax, jax.numpy as jnp
import numpy as np

N = 10000
E = 320000
D = 128
OUT = 128
K = 2


def setup_inputs(seed: int = 0) -> dict:
    key = jax.random.key(seed)
    k1, k2, k3, k4 = jax.random.split(key, 4)
    feat = jax.random.normal(k1, (N, D), dtype=jnp.float32)
    edge_index = jax.random.randint(k2, (2, E), 0, N, dtype=jnp.int32)
    # nn.Linear(in_feats*(k+1), out_feats): weight stored here as [in, out]
    fan_in = D * (K + 1)
    gain = float(np.sqrt(2.0))  # calculate_gain('relu')
    std = gain * np.sqrt(2.0 / (fan_in + OUT))  # xavier_normal_
    W = jax.random.normal(k3, (fan_in, OUT), dtype=jnp.float32) * std
    bound = 1.0 / np.sqrt(fan_in)
    b = jax.random.uniform(k4, (OUT,), dtype=jnp.float32, minval=-bound, maxval=bound)
    return {"feat": feat, "edge_index": edge_index, "W": W, "b": b}


def reference(feat, edge_index, W, b):
    src = edge_index[0]
    dst = edge_index[1]
    # in-degrees via scatter-add
    deg = jnp.zeros((N,), dtype=feat.dtype).at[dst].add(1.0)
    norm = jnp.power(jnp.clip(deg, 1.0, None), -0.5)[:, None]
    fstack = [feat]
    h = feat
    for _ in range(K):
        rst = h * norm
        # copy_src + sum over incoming edges: gather at src, scatter-add to dst
        agg = jax.ops.segment_sum(rst[src], dst, num_segments=N)
        h = agg * norm
        fstack.append(h)
    out = jnp.concatenate(fstack, axis=-1) @ W + b
    return out

if __name__ == "__main__":
    import jax
    _d = setup_inputs()
    print(jax.jit(kernel)(*tuple(_d.values())))

</pallas_src>

<mosaic_0001>
#map = affine_map<(d0, d1) -> (0)>
#map1 = affine_map<(d0, d1) -> (0, 0)>
module attributes {stable_mosaic.version = 14 : i64} {
  func.func @_sc_deg(%arg0: i32, %arg1: i32, %arg2: memref<320000xi32, #tpu.memory_space<hbm>>, %arg3: memref<10240xf32, #tpu.memory_space<hbm>>, %arg4: memref<32x10240xf32, #tpu.memory_space<hbm>>, %arg5: memref<10000xi32, #tpu.memory_space<vmem>>, %arg6: memref<10240xf32, #tpu.memory_space<vmem>>) attributes {dimension_semantics = [#tpu.dimension_semantics<core_parallel>, #tpu.dimension_semantics<subcore_parallel>], iteration_bounds = array<i64: 2, 16>, scalar_prefetch = 0 : i64, scratch_operands = 2 : i64, tpu.core_type = #tpu.core_type<sc_vector_subcore>, window_params = [{transform_indices = #map}, {transform_indices = #map}, {transform_indices = #map1}]} {
    %mul3A = arith.constant 16 : i32
    %mul3A_0 = arith.muli %arg0, %mul3A : i32
    %add3A = arith.addi %mul3A_0, %arg1 : i32
    %mul3A_1 = arith.constant 10000 : i32
    %mul3A_2 = arith.muli %add3A, %mul3A_1 : i32
    "tpu.region"() ({
      %run_scoped3A = tpu.sem_alloc : memref<!tpu.dma_semaphore, #tpu.memory_space<semaphore_mem>>
      %dma_start3A = tpu.memref_slice %arg2[%mul3A_2] : memref<320000xi32, #tpu.memory_space<hbm>> -> memref<10000xi32, #tpu.memory_space<hbm>>
      %dma_start3A_10 = tpu.memref_slice %arg2[%mul3A_2] : memref<320000xi32, #tpu.memory_space<hbm>> -> memref<10000xi32, #tpu.memory_space<hbm>>
      tpu.enqueue_dma source(%dma_start3A_10 : memref<10000xi32, #tpu.memory_space<hbm>>) target(%arg5 : memref<10000xi32, #tpu.memory_space<vmem>>) target_semaphore(%run_scoped3A : memref<!tpu.dma_semaphore, #tpu.memory_space<semaphore_mem>>)
      %dma_wait3A = tpu.memref_slice %arg2[%mul3A_2] : memref<320000xi32, #tpu.memory_space<hbm>> -> memref<10000xi32, #tpu.memory_space<hbm>>
      %dma_wait3A_11 = tpu.memref_slice %arg2[%mul3A_2] : memref<320000xi32, #tpu.memory_space<hbm>> -> memref<10000xi32, #tpu.memory_space<hbm>>
      tpu.wait_dma2 semaphore(%run_scoped3A : memref<!tpu.dma_semaphore, #tpu.memory_space<semaphore_mem>>) src(%dma_wait3A_11 : memref<10000xi32, #tpu.memory_space<hbm>>) dst(%arg5 : memref<10000xi32, #tpu.memory_space<vmem>>)
      tpu.yield
    }) : () -> ()
    "tpu.region"() ({
      %run_scoped3A = tpu.sem_alloc : memref<!tpu.dma_semaphore, #tpu.memory_space<semaphore_mem>>
      tpu.enqueue_dma source(%arg3 : memref<10240xf32, #tpu.memory_space<hbm>>) target(%arg6 : memref<10240xf32, #tpu.memory_space<vmem>>) target_semaphore(%run_scoped3A : memref<!tpu.dma_semaphore, #tpu.memory_space<semaphore_mem>>)
      tpu.wait_dma2 semaphore(%run_scoped3A : memref<!tpu.dma_semaphore, #tpu.memory_space<semaphore_mem>>) src(%arg3 : memref<10240xf32, #tpu.memory_space<hbm>>) dst(%arg6 : memref<10240xf32, #tpu.memory_space<vmem>>)
      tpu.yield
    }) : () -> ()
    %broadcast_in_dim3A = arith.constant 1.000000e+00 : f32
    %broadcast_in_dim3A_3 = vector.broadcast %broadcast_in_dim3A : f32 to vector<16xf32>
    %scan3A = arith.constant 0 : i32
    %scan3A_4 = arith.constant 0 : i32
    %scan3A_5 = arith.constant 625 : i32
    %scan3A_6 = arith.addi %scan3A_4, %scan3A_5 : i32
    %scan3A_7 = arith.constant 1 : i32
    %scan3A_8 = scf.for %scan3A_10 = %scan3A_4 to %scan3A_6 step %scan3A_7 iter_args(%scan3A_11 = %scan3A) -> (i32)  : i32 {
      %mul3A_12 = arith.constant 16 : i32
      %mul3A_13 = arith.muli %scan3A_10, %mul3A_12 : i32
      %get3A = arith.index_cast %mul3A_13 : i32 to index
      %get3A_14 = tpu.vector_load %arg5[%get3A] {strides = array<i32>} : memref<10000xi32, #tpu.memory_space<vmem>>, vector<16xi32>,
      tpu.vector_store_idx %arg6[%get3A_14], %broadcast_in_dim3A_3 {add = true} : memref<10240xf32, #tpu.memory_space<vmem>>[vector<16xi32>], vector<16xf32>,
      %scan3A_15 = arith.constant 0 : i32
      scf.yield %scan3A_15 : i32
    }
    %scan3A_9 = arith.constant 625 : i32
    "tpu.region"() ({
      %run_scoped3A = tpu.sem_alloc : memref<!tpu.dma_semaphore, #tpu.memory_space<semaphore_mem>>
      %dma_start3A = arith.constant 0 : i32
      %dma_start3A_10 = tpu.memref_slice %arg4[%add3A, %dma_start3A] : memref<32x10240xf32, #tpu.memory_space<hbm>> -> memref<1x10240xf32, #tpu.memory_space<hbm>>
      %dma_start3A_11 = tpu.memref_squeeze %dma_start3A_10 : memref<1x10240xf32, #tpu.memory_space<hbm>> -> memref<10240xf32, #tpu.memory_space<hbm>>
      %dma_start3A_12 = arith.constant 0 : i32
      %dma_start3A_13 = tpu.memref_slice %arg4[%add3A, %dma_start3A_12] : memref<32x10240xf32, #tpu.memory_space<hbm>> -> memref<1x10240xf32, #tpu.memory_space<hbm>>
      %dma_start3A_14 = tpu.memref_squeeze %dma_start3A_13 : memref<1x10240xf32, #tpu.memory_space<hbm>> -> memref<10240xf32, #tpu.memory_space<hbm>>
      tpu.enqueue_dma source(%arg6 : memref<10240xf32, #tpu.memory_space<vmem>>) target(%dma_start3A_14 : memref<10240xf32, #tpu.memory_space<hbm>>) target_semaphore(%run_scoped3A : memref<!tpu.dma_semaphore, #tpu.memory_space<semaphore_mem>>)
      %dma_wait3A = arith.constant 0 : i32
      %dma_wait3A_15 = tpu.memref_slice %arg4[%add3A, %dma_wait3A] : memref<32x10240xf32, #tpu.memory_space<hbm>> -> memref<1x10240xf32, #tpu.memory_space<hbm>>
      %dma_wait3A_16 = tpu.memref_squeeze %dma_wait3A_15 : memref<1x10240xf32, #tpu.memory_space<hbm>> -> memref<10240xf32, #tpu.memory_space<hbm>>
      %dma_wait3A_17 = arith.constant 0 : i32
      %dma_wait3A_18 = tpu.memref_slice %arg4[%add3A, %dma_wait3A_17] : memref<32x10240xf32, #tpu.memory_space<hbm>> -> memref<1x10240xf32, #tpu.memory_space<hbm>>
      %dma_wait3A_19 = tpu.memref_squeeze %dma_wait3A_18 : memref<1x10240xf32, #tpu.memory_space<hbm>> -> memref<10240xf32, #tpu.memory_space<hbm>>
      tpu.wait_dma2 semaphore(%run_scoped3A : memref<!tpu.dma_semaphore, #tpu.memory_space<semaphore_mem>>) src(%arg6 : memref<10240xf32, #tpu.memory_space<vmem>>) dst(%dma_wait3A_19 : memref<10240xf32, #tpu.memory_space<hbm>>)
      tpu.yield
    }) : () -> ()
    return
  }
}

#map = affine_map<(d0, d1) -> (0, 0)>
#map1 = affine_map<(d0, d1) -> (0, 0, 0, 0)>
#map2 = affine_map<(d0, d1) -> (0, 0, 0)>
module attributes {stable_mosaic.version = 14 : i64} {
  func.func @_sc_hop(%arg0: i32, %arg1: i32, %arg2: memref<10000x128xf32, #tpu.memory_space<hbm>>, %arg3: memref<32x18x5x112xi32, #tpu.memory_space<hbm>>, %arg4: memref<32x18x5x112xi32, #tpu.memory_space<hbm>>, %arg5: memref<640x128xf32, #tpu.memory_space<hbm>>, %arg6: memref<2x10240x128xf32, #tpu.memory_space<hbm>>, %arg7: memref<2x5x112xi32, #tpu.memory_space<vmem>>, %arg8: memref<2x5x112xi32, #tpu.memory_space<vmem>>, %arg9: memref<3x112x128xf32, #tpu.memory_space<vmem>>, %arg10: memref<2x!tpu.dma_semaphore, #tpu.memory_space<semaphore_mem>>, %arg11: memref<3x!tpu.dma_semaphore, #tpu.memory_space<semaphore_mem>>, %arg12: memref<3x!tpu.dma_semaphore, #tpu.memory_space<semaphore_mem>>, %arg13: memref<10240x128xf32, #tpu.memory_space<vmem_shared>>) attributes {dimension_semantics = [#tpu.dimension_semantics<core_parallel>, #tpu.dimension_semantics<subcore_parallel>], iteration_bounds = array<i64: 2, 16>, scalar_prefetch = 0 : i64, scratch_operands = 7 : i64, tpu.core_type = #tpu.core_type<sc_vector_subcore>, window_params = [{transform_indices = #map}, {transform_indices = #map1}, {transform_indices = #map1}, {transform_indices = #map}, {transform_indices = #map2}]} {
    %mul3A = arith.constant 16 : i32
    %mul3A_0 = arith.muli %arg0, %mul3A : i32
    %add3A = arith.addi %mul3A_0, %arg1 : i32
    %mul3A_1 = arith.constant 640 : i32
    %mul3A_2 = arith.muli %arg1, %mul3A_1 : i32
    "tpu.region"() ({
      %run_scoped3A_137 = tpu.sem_alloc : memref<!tpu.dma_semaphore, #tpu.memory_space<semaphore_mem>>
      %dma_start3A_138 = arith.constant 0 : i32
      %dma_start3A_139 = tpu.memref_slice %arg13[%mul3A_2, %dma_start3A_138] : memref<10240x128xf32, #tpu.memory_space<vmem_shared>> -> memref<640x128xf32, #tpu.memory_space<vmem_shared>>
      tpu.enqueue_dma source(%arg5 : memref<640x128xf32, #tpu.memory_space<hbm>>) target(%dma_start3A_139 : memref<640x128xf32, #tpu.memory_space<vmem_shared>>) target_semaphore(%run_scoped3A_137 : memref<!tpu.dma_semaphore, #tpu.memory_space<semaphore_mem>>)
      %dma_wait3A_140 = arith.constant 0 : i32
      %dma_wait3A_141 = tpu.memref_slice %arg13[%mul3A_2, %dma_wait3A_140] : memref<10240x128xf32, #tpu.memory_space<vmem_shared>> -> memref<640x128xf32, #tpu.memory_space<vmem_shared>>
      tpu.wait_dma2 semaphore(%run_scoped3A_137 : memref<!tpu.dma_semaphore, #tpu.memory_space<semaphore_mem>>) src(%arg5 : memref<640x128xf32, #tpu.memory_space<hbm>>) dst(%dma_wait3A_141 : memref<640x128xf32, #tpu.memory_space<vmem_shared>>)
      tpu.yield
    }) : () -> ()
    %run_scoped3A = arith.constant 0 : i32
    %run_scoped3A_3 = arith.constant 0 : i32
    "tpu.region"() ({
      %run_scoped3A_137 = tpu.sem_alloc : memref<!tpu.dma_semaphore, #tpu.memory_space<semaphore_mem>>
      %dma_start3A_138 = arith.constant 0 : i32
      %dma_start3A_139 = arith.constant 0 : i32
      %dma_start3A_140 = tpu.memref_slice %arg7[%run_scoped3A_3, %dma_start3A_138, %dma_start3A_139] : memref<2x5x112xi32, #tpu.memory_space<vmem>> -> memref<1x5x112xi32, #tpu.memory_space<vmem>>
      %dma_start3A_141 = tpu.memref_squeeze %dma_start3A_140 : memref<1x5x112xi32, #tpu.memory_space<vmem>> -> memref<5x112xi32, #tpu.memory_space<vmem>>
      %dma_start3A_142 = arith.constant 0 : i32
      %dma_start3A_143 = arith.constant 0 : i32
      %dma_start3A_144 = tpu.memref_slice %arg3[%add3A, %run_scoped3A, %dma_start3A_142, %dma_start3A_143] : memref<32x18x5x112xi32, #tpu.memory_space<hbm>> -> memref<1x1x5x112xi32, #tpu.memory_space<hbm>>
      %dma_start3A_145 = tpu.memref_squeeze %dma_start3A_144 : memref<1x1x5x112xi32, #tpu.memory_space<hbm>> -> memref<5x112xi32, #tpu.memory_space<hbm>>
      %dma_start3A_146 = arith.constant 0 : i32
      %dma_start3A_147 = arith.constant 0 : i32
      %dma_start3A_148 = tpu.memref_slice %arg7[%run_scoped3A_3, %dma_start3A_146, %dma_start3A_147] : memref<2x5x112xi32, #tpu.memory_space<vmem>> -> memref<1x5x112xi32, #tpu.memory_space<vmem>>
      %dma_start3A_149 = tpu.memref_squeeze %dma_start3A_148 : memref<1x5x112xi32, #tpu.memory_space<vmem>> -> memref<5x112xi32, #tpu.memory_space<vmem>>
      %dma_start3A_150 = arith.constant 0 : i32
      %dma_start3A_151 = arith.constant 0 : i32
      %dma_start3A_152 = tpu.memref_slice %arg3[%add3A, %run_scoped3A, %dma_start3A_150, %dma_start3A_151] : memref<32x18x5x112xi32, #tpu.memory_space<hbm>> -> memref<1x1x5x112xi32, #tpu.memory_space<hbm>>
      %dma_start3A_153 = tpu.memref_squeeze %dma_start3A_152 : memref<1x1x5x112xi32, #tpu.memory_space<hbm>> -> memref<5x112xi32, #tpu.memory_space<hbm>>
      tpu.enqueue_dma source(%dma_start3A_153 : memref<5x112xi32, #tpu.memory_space<hbm>>) target(%dma_start3A_149 : memref<5x112xi32, #tpu.memory_space<vmem>>) target_semaphore(%run_scoped3A_137 : memref<!tpu.dma_semaphore, #tpu.memory_space<semaphore_mem>>)
      %dma_wait3A_154 = arith.constant 0 : i32
      %dma_wait3A_155 = arith.constant 0 : i32
      %dma_wait3A_156 = tpu.memref_slice %arg7[%run_scoped3A_3, %dma_wait3A_154, %dma_wait3A_155] : memref<2x5x112xi32, #tpu.memory_space<vmem>> -> memref<1x5x112xi32, #tpu.memory_space<vmem>>
      %dma_wait3A_157 = tpu.memref_squeeze %dma_wait3A_156 : memref<1x5x112xi32, #tpu.memory_space<vmem>> -> memref<5x112xi32, #tpu.memory_space<vmem>>
      %dma_wait3A_158 = arith.constant 0 : i32
      %dma_wait3A_159 = arith.constant 0 : i32
      %dma_wait3A_160 = tpu.memref_slice %arg3[%add3A, %run_scoped3A, %dma_wait3A_158, %dma_wait3A_159] : memref<32x18x5x112xi32, #tpu.memory_space<hbm>> -> memref<1x1x5x112xi32, #tpu.memory_space<hbm>>
      %dma_wait3A_161 = tpu.memref_squeeze %dma_wait3A_160 : memref<1x1x5x112xi32, #tpu.memory_space<hbm>> -> memref<5x112xi32, #tpu.memory_space<hbm>>
      %dma_wait3A_162 = arith.constant 0 : i32
      %dma_wait3A_163 = arith.constant 0 : i32
      %dma_wait3A_164 = tpu.memref_slice %arg7[%run_scoped3A_3, %dma_wait3A_162, %dma_wait3A_163] : memref<2x5x112xi32, #tpu.memory_space<vmem>> -> memref<1x5x112xi32, #tpu.memory_space<vmem>>
      %dma_wait3A_165 = tpu.memref_squeeze %dma_wait3A_164 : memref<1x5x112xi32, #tpu.memory_space<vmem>> -> memref<5x112xi32, #tpu.memory_space<vmem>>
      %dma_wait3A_166 = arith.constant 0 : i32
      %dma_wait3A_167 = arith.constant 0 : i32
      %dma_wait3A_168 = tpu.memref_slice %arg3[%add3A, %run_scoped3A, %dma_wait3A_166, %dma_wait3A_167] : memref<32x18x5x112xi32, #tpu.memory_space<hbm>> -> memref<1x1x5x112xi32, #tpu.memory_space<hbm>>
      %dma_wait3A_169 = tpu.memref_squeeze %dma_wait3A_168 : memref<1x1x5x112xi32, #tpu.memory_space<hbm>> -> memref<5x112xi32, #tpu.memory_space<hbm>>
      tpu.wait_dma2 semaphore(%run_scoped3A_137 : memref<!tpu.dma_semaphore, #tpu.memory_space<semaphore_mem>>) src(%dma_wait3A_169 : memref<5x112xi32, #tpu.memory_space<hbm>>) dst(%dma_wait3A_165 : memref<5x112xi32, #tpu.memory_space<vmem>>)
      tpu.yield
    }) : () -> ()
    %run_scoped3A_4 = arith.constant 0 : i32
    %run_scoped3A_5 = arith.constant 0 : i32
    "tpu.region"() ({
      %run_scoped3A_137 = tpu.sem_alloc : memref<!tpu.dma_semaphore, #tpu.memory_space<semaphore_mem>>
      %dma_start3A_138 = arith.constant 0 : i32
      %dma_start3A_139 = arith.constant 0 : i32
      %dma_start3A_140 = tpu.memref_slice %arg8[%run_scoped3A_5, %dma_start3A_138, %dma_start3A_139] : memref<2x5x112xi32, #tpu.memory_space<vmem>> -> memref<1x5x112xi32, #tpu.memory_space<vmem>>
      %dma_start3A_141 = tpu.memref_squeeze %dma_start3A_140 : memref<1x5x112xi32, #tpu.memory_space<vmem>> -> memref<5x112xi32, #tpu.memory_space<vmem>>
      %dma_start3A_142 = arith.constant 0 : i32
      %dma_start3A_143 = arith.constant 0 : i32
      %dma_start3A_144 = tpu.memref_slice %arg4[%add3A, %run_scoped3A_4, %dma_start3A_142, %dma_start3A_143] : memref<32x18x5x112xi32, #tpu.memory_space<hbm>> -> memref<1x1x5x112xi32, #tpu.memory_space<hbm>>
      %dma_start3A_145 = tpu.memref_squeeze %dma_start3A_144 : memref<1x1x5x112xi32, #tpu.memory_space<hbm>> -> memref<5x112xi32, #tpu.memory_space<hbm>>
      %dma_start3A_146 = arith.constant 0 : i32
      %dma_start3A_147 = arith.constant 0 : i32
      %dma_start3A_148 = tpu.memref_slice %arg8[%run_scoped3A_5, %dma_start3A_146, %dma_start3A_147] : memref<2x5x112xi32, #tpu.memory_space<vmem>> -> memref<1x5x112xi32, #tpu.memory_space<vmem>>
      %dma_start3A_149 = tpu.memref_squeeze %dma_start3A_148 : memref<1x5x112xi32, #tpu.memory_space<vmem>> -> memref<5x112xi32, #tpu.memory_space<vmem>>
      %dma_start3A_150 = arith.constant 0 : i32
      %dma_start3A_151 = arith.constant 0 : i32
      %dma_start3A_152 = tpu.memref_slice %arg4[%add3A, %run_scoped3A_4, %dma_start3A_150, %dma_start3A_151] : memref<32x18x5x112xi32, #tpu.memory_space<hbm>> -> memref<1x1x5x112xi32, #tpu.memory_space<hbm>>
      %dma_start3A_153 = tpu.memref_squeeze %dma_start3A_152 : memref<1x1x5x112xi32, #tpu.memory_space<hbm>> -> memref<5x112xi32, #tpu.memory_space<hbm>>
      tpu.enqueue_dma source(%dma_start3A_153 : memref<5x112xi32, #tpu.memory_space<hbm>>) target(%dma_start3A_149 : memref<5x112xi32, #tpu.memory_space<vmem>>) target_semaphore(%run_scoped3A_137 : memref<!tpu.dma_semaphore, #tpu.memory_space<semaphore_mem>>)
      %dma_wait3A_154 = arith.constant 0 : i32
      %dma_wait3A_155 = arith.constant 0 : i32
      %dma_wait3A_156 = tpu.memref_slice %arg8[%run_scoped3A_5, %dma_wait3A_154, %dma_wait3A_155] : memref<2x5x112xi32, #tpu.memory_space<vmem>> -> memref<1x5x112xi32, #tpu.memory_space<vmem>>
      %dma_wait3A_157 = tpu.memref_squeeze %dma_wait3A_156 : memref<1x5x112xi32, #tpu.memory_space<vmem>> -> memref<5x112xi32, #tpu.memory_space<vmem>>
      %dma_wait3A_158 = arith.constant 0 : i32
      %dma_wait3A_159 = arith.constant 0 : i32
      %dma_wait3A_160 = tpu.memref_slice %arg4[%add3A, %run_scoped3A_4, %dma_wait3A_158, %dma_wait3A_159] : memref<32x18x5x112xi32, #tpu.memory_space<hbm>> -> memref<1x1x5x112xi32, #tpu.memory_space<hbm>>
      %dma_wait3A_161 = tpu.memref_squeeze %dma_wait3A_160 : memref<1x1x5x112xi32, #tpu.memory_space<hbm>> -> memref<5x112xi32, #tpu.memory_space<hbm>>
      %dma_wait3A_162 = arith.constant 0 : i32
      %dma_wait3A_163 = arith.constant 0 : i32
      %dma_wait3A_164 = tpu.memref_slice %arg8[%run_scoped3A_5, %dma_wait3A_162, %dma_wait3A_163] : memref<2x5x112xi32, #tpu.memory_space<vmem>> -> memref<1x5x112xi32, #tpu.memory_space<vmem>>
      %dma_wait3A_165 = tpu.memref_squeeze %dma_wait3A_164 : memref<1x5x112xi32, #tpu.memory_space<vmem>> -> memref<5x112xi32, #tpu.memory_space<vmem>>
      %dma_wait3A_166 = arith.constant 0 : i32
      %dma_wait3A_167 = arith.constant 0 : i32
      %dma_wait3A_168 = tpu.memref_slice %arg4[%add3A, %run_scoped3A_4, %dma_wait3A_166, %dma_wait3A_167] : memref<32x18x5x112xi32, #tpu.memory_space<hbm>> -> memref<1x1x5x112xi32, #tpu.memory_space<hbm>>
      %dma_wait3A_169 = tpu.memref_squeeze %dma_wait3A_168 : memref<1x1x5x112xi32, #tpu.memory_space<hbm>> -> memref<5x112xi32, #tpu.memory_space<hbm>>
      tpu.wait_dma2 semaphore(%run_scoped3A_137 : memref<!tpu.dma_semaphore, #tpu.memory_space<semaphore_mem>>) src(%dma_wait3A_169 : memref<5x112xi32, #tpu.memory_space<hbm>>) dst(%dma_wait3A_165 : memref<5x112xi32, #tpu.memory_space<vmem>>)
      tpu.yield
    }) : () -> ()
    %dma_start3A = arith.constant 1 : i32
    %dma_start3A_6 = arith.constant 1 : i32
    %dma_start3A_7 = arith.constant 1 : i32
    %dma_start3A_8 = arith.constant 0 : i32
    %dma_start3A_9 = arith.constant 0 : i32
    %dma_start3A_10 = tpu.memref_slice %arg7[%dma_start3A_6, %dma_start3A_8, %dma_start3A_9] : memref<2x5x112xi32, #tpu.memory_space<vmem>> -> memref<1x5x112xi32, #tpu.memory_space<vmem>>
    %dma_start3A_11 = tpu.memref_squeeze %dma_start3A_10 : memref<1x5x112xi32, #tpu.memory_space<vmem>> -> memref<5x112xi32, #tpu.memory_space<vmem>>
    %dma_start3A_12 = arith.constant 0 : i32
    %dma_start3A_13 = arith.constant 0 : i32
    %dma_start3A_14 = tpu.memref_slice %arg3[%add3A, %dma_start3A, %dma_start3A_12, %dma_start3A_13] : memref<32x18x5x112xi32, #tpu.memory_space<hbm>> -> memref<1x1x5x112xi32, #tpu.memory_space<hbm>>
    %dma_start3A_15 = tpu.memref_squeeze %dma_start3A_14 : memref<1x1x5x112xi32, #tpu.memory_space<hbm>> -> memref<5x112xi32, #tpu.memory_space<hbm>>
    %dma_start3A_16 = tpu.memref_slice %arg10[%dma_start3A_7] : memref<2x!tpu.dma_semaphore, #tpu.memory_space<semaphore_mem>> -> memref<1x!tpu.dma_semaphore, #tpu.memory_space<semaphore_mem>>
    %dma_start3A_17 = tpu.memref_squeeze %dma_start3A_16 : memref<1x!tpu.dma_semaphore, #tpu.memory_space<semaphore_mem>> -> memref<!tpu.dma_semaphore, #tpu.memory_space<semaphore_mem>>
    %dma_start3A_18 = arith.constant 0 : i32
    %dma_start3A_19 = arith.constant 0 : i32
    %dma_start3A_20 = tpu.memref_slice %arg7[%dma_start3A_6, %dma_start3A_18, %dma_start3A_19] : memref<2x5x112xi32, #tpu.memory_space<vmem>> -> memref<1x5x112xi32, #tpu.memory_space<vmem>>
    %dma_start3A_21 = tpu.memref_squeeze %dma_start3A_20 : memref<1x5x112xi32, #tpu.memory_space<vmem>> -> memref<5x112xi32, #tpu.memory_space<vmem>>
    %dma_start3A_22 = arith.constant 0 : i32
    %dma_start3A_23 = arith.constant 0 : i32
    %dma_start3A_24 = tpu.memref_slice %arg3[%add3A, %dma_start3A, %dma_start3A_22, %dma_start3A_23] : memref<32x18x5x112xi32, #tpu.memory_space<hbm>> -> memref<1x1x5x112xi32, #tpu.memory_space<hbm>>
    %dma_start3A_25 = tpu.memref_squeeze %dma_start3A_24 : memref<1x1x5x112xi32, #tpu.memory_space<hbm>> -> memref<5x112xi32, #tpu.memory_space<hbm>>
    tpu.enqueue_dma source(%dma_start3A_25 : memref<5x112xi32, #tpu.memory_space<hbm>>) target(%dma_start3A_21 : memref<5x112xi32, #tpu.memory_space<vmem>>) target_semaphore(%dma_start3A_17 : memref<!tpu.dma_semaphore, #tpu.memory_space<semaphore_mem>>)
    %dma_start3A_26 = arith.constant 1 : i32
    %dma_start3A_27 = arith.constant 1 : i32
    %dma_start3A_28 = arith.constant 1 : i32
    %dma_start3A_29 = arith.constant 0 : i32
    %dma_start3A_30 = arith.constant 0 : i32
    %dma_start3A_31 = tpu.memref_slice %arg8[%dma_start3A_27, %dma_start3A_29, %dma_start3A_30] : memref<2x5x112xi32, #tpu.memory_space<vmem>> -> memref<1x5x112xi32, #tpu.memory_space<vmem>>
    %dma_start3A_32 = tpu.memref_squeeze %dma_start3A_31 : memref<1x5x112xi32, #tpu.memory_space<vmem>> -> memref<5x112xi32, #tpu.memory_space<vmem>>
    %dma_start3A_33 = arith.constant 0 : i32
    %dma_start3A_34 = arith.constant 0 : i32
    %dma_start3A_35 = tpu.memref_slice %arg4[%add3A, %dma_start3A_26, %dma_start3A_33, %dma_start3A_34] : memref<32x18x5x112xi32, #tpu.memory_space<hbm>> -> memref<1x1x5x112xi32, #tpu.memory_space<hbm>>
    %dma_start3A_36 = tpu.memref_squeeze %dma_start3A_35 : memref<1x1x5x112xi32, #tpu.memory_space<hbm>> -> memref<5x112xi32, #tpu.memory_space<hbm>>
    %dma_start3A_37 = tpu.memref_slice %arg10[%dma_start3A_28] : memref<2x!tpu.dma_semaphore, #tpu.memory_space<semaphore_mem>> -> memref<1x!tpu.dma_semaphore, #tpu.memory_space<semaphore_mem>>
    %dma_start3A_38 = tpu.memref_squeeze %dma_start3A_37 : memref<1x!tpu.dma_semaphore, #tpu.memory_space<semaphore_mem>> -> memref<!tpu.dma_semaphore, #tpu.memory_space<semaphore_mem>>
    %dma_start3A_39 = arith.constant 0 : i32
    %dma_start3A_40 = arith.constant 0 : i32
    %dma_start3A_41 = tpu.memref_slice %arg8[%dma_start3A_27, %dma_start3A_39, %dma_start3A_40] : memref<2x5x112xi32, #tpu.memory_space<vmem>> -> memref<1x5x112xi32, #tpu.memory_space<vmem>>
    %dma_start3A_42 = tpu.memref_squeeze %dma_start3A_41 : memref<1x5x112xi32, #tpu.memory_space<vmem>> -> memref<5x112xi32, #tpu.memory_space<vmem>>
    %dma_start3A_43 = arith.constant 0 : i32
    %dma_start3A_44 = arith.constant 0 : i32
    %dma_start3A_45 = tpu.memref_slice %arg4[%add3A, %dma_start3A_26, %dma_start3A_43, %dma_start3A_44] : memref<32x18x5x112xi32, #tpu.memory_space<hbm>> -> memref<1x1x5x112xi32, #tpu.memory_space<hbm>>
    %dma_start3A_46 = tpu.memref_squeeze %dma_start3A_45 : memref<1x1x5x112xi32, #tpu.memory_space<hbm>> -> memref<5x112xi32, #tpu.memory_space<hbm>>
    tpu.enqueue_dma source(%dma_start3A_46 : memref<5x112xi32, #tpu.memory_space<hbm>>) target(%dma_start3A_42 : memref<5x112xi32, #tpu.memory_space<vmem>>) target_semaphore(%dma_start3A_38 : memref<!tpu.dma_semaphore, #tpu.memory_space<semaphore_mem>>)
    %barrier3A = arith.constant 0 : index
    tpu.barrier barrier_id(%barrier3A)
    %dma_start3A_47 = arith.constant 0 : i32
    %dma_start3A_48 = arith.constant 0 : i32
    %dma_start3A_49 = arith.constant 0 : i32
    %dma_start3A_50 = arith.constant 0 : i32
    %dma_start3A_51 = arith.constant 0 : i32
    %dma_start3A_52 = arith.constant 0 : i32
    %dma_start3A_53 = tpu.memref_slice %arg9[%dma_start3A_49, %dma_start3A_51, %dma_start3A_52] : memref<3x112x128xf32, #tpu.memory_space<vmem>> -> memref<1x112x128xf32, #tpu.memory_space<vmem>>
    %dma_start3A_54 = tpu.memref_squeeze %dma_start3A_53 : memref<1x112x128xf32, #tpu.memory_space<vmem>> -> memref<112x128xf32, #tpu.memory_space<vmem>>
    %dma_start3A_55 = arith.constant 0 : i32
    %dma_start3A_56 = tpu.memref_slice %arg7[%dma_start3A_47, %dma_start3A_48, %dma_start3A_55] : memref<2x5x112xi32, #tpu.memory_space<vmem>> -> memref<1x1x112xi32, #tpu.memory_space<vmem>>
    %dma_start3A_57 = tpu.memref_squeeze %dma_start3A_56 : memref<1x1x112xi32, #tpu.memory_space<vmem>> -> memref<112xi32, #tpu.memory_space<vmem>>
    %dma_start3A_58 = arith.constant 0 : i32
    %dma_start3A_59 = arith.constant 0 : i32
    %dma_start3A_60 = tpu.memref_slice %arg2[%dma_start3A_58, %dma_start3A_59] : memref<10000x128xf32, #tpu.memory_space<hbm>> -> memref<10000x128xf32, #tpu.memory_space<hbm>>
    %dma_start3A_61 = tpu.memref_slice %arg11[%dma_start3A_50] : memref<3x!tpu.dma_semaphore, #tpu.memory_space<semaphore_mem>> -> memref<1x!tpu.dma_semaphore, #tpu.memory_space<semaphore_mem>>
    %dma_start3A_62 = tpu.memref_squeeze %dma_start3A_61 : memref<1x!tpu.dma_semaphore, #tpu.memory_space<semaphore_mem>> -> memref<!tpu.dma_semaphore, #tpu.memory_space<semaphore_mem>>
    tpu.enqueue_indirect_dma source(%dma_start3A_60 : memref<10000x128xf32, #tpu.memory_space<hbm>>) target(%dma_start3A_54 : memref<112x128xf32, #tpu.memory_space<vmem>>) offsets(%dma_start3A_57 : memref<112xi32, #tpu.memory_space<vmem>>) semaphore(%dma_start3A_62 : memref<!tpu.dma_semaphore, #tpu.memory_space<semaphore_mem>>)
    %dma_start3A_63 = arith.constant 0 : i32
    %dma_start3A_64 = arith.constant 1 : i32
    %dma_start3A_65 = arith.constant 1 : i32
    %dma_start3A_66 = arith.constant 1 : i32
    %dma_start3A_67 = arith.constant 0 : i32
    %dma_start3A_68 = arith.constant 0 : i32
    %dma_start3A_69 = tpu.memref_slice %arg9[%dma_start3A_65, %dma_start3A_67, %dma_start3A_68] : memref<3x112x128xf32, #tpu.memory_space<vmem>> -> memref<1x112x128xf32, #tpu.memory_space<vmem>>
    %dma_start3A_70 = tpu.memref_squeeze %dma_start3A_69 : memref<1x112x128xf32, #tpu.memory_space<vmem>> -> memref<112x128xf32, #tpu.memory_space<vmem>>
    %dma_start3A_71 = arith.constant 0 : i32
    %dma_start3A_72 = tpu.memref_slice %arg7[%dma_start3A_63, %dma_start3A_64, %dma_start3A_71] : memref<2x5x112xi32, #tpu.memory_space<vmem>> -> memref<1x1x112xi32, #tpu.memory_space<vmem>>
    %dma_start3A_73 = tpu.memref_squeeze %dma_start3A_72 : memref<1x1x112xi32, #tpu.memory_space<vmem>> -> memref<112xi32, #tpu.memory_space<vmem>>
    %dma_start3A_74 = arith.constant 0 : i32
    %dma_start3A_75 = arith.constant 0 : i32
    %dma_start3A_76 = tpu.memref_slice %arg2[%dma_start3A_74, %dma_start3A_75] : memref<10000x128xf32, #tpu.memory_space<hbm>> -> memref<10000x128xf32, #tpu.memory_space<hbm>>
    %dma_start3A_77 = tpu.memref_slice %arg11[%dma_start3A_66] : memref<3x!tpu.dma_semaphore, #tpu.memory_space<semaphore_mem>> -> memref<1x!tpu.dma_semaphore, #tpu.memory_space<semaphore_mem>>
    %dma_start3A_78 = tpu.memref_squeeze %dma_start3A_77 : memref<1x!tpu.dma_semaphore, #tpu.memory_space<semaphore_mem>> -> memref<!tpu.dma_semaphore, #tpu.memory_space<semaphore_mem>>
    tpu.enqueue_indirect_dma source(%dma_start3A_76 : memref<10000x128xf32, #tpu.memory_space<hbm>>) target(%dma_start3A_70 : memref<112x128xf32, #tpu.memory_space<vmem>>) offsets(%dma_start3A_73 : memref<112xi32, #tpu.memory_space<vmem>>) semaphore(%dma_start3A_78 : memref<!tpu.dma_semaphore, #tpu.memory_space<semaphore_mem>>)
    %scan3A = arith.constant 0 : i32
    %scan3A_79 = arith.constant 0 : i32
    %scan3A_80 = arith.constant 90 : i32
    %scan3A_81 = arith.addi %scan3A_79, %scan3A_80 : i32
    %scan3A_82 = arith.constant 1 : i32
    %scan3A_83 = scf.for %scan3A_137 = %scan3A_79 to %scan3A_81 step %scan3A_82 iter_args(%scan3A_138 = %scan3A) -> (i32)  : i32 {
      %jit3A = arith.constant 5 : i32
      %div3A = arith.divsi %scan3A_137, %jit3A : i32
      %sign3A = arith.constant 0 : i32
      %sign3A_139 = arith.cmpi sgt, %scan3A_137, %sign3A : i32
      %sign3A_140 = arith.extui %sign3A_139 : i1 to i32
      %sign3A_141 = arith.constant 0 : i32
      %sign3A_142 = arith.cmpi slt, %scan3A_137, %sign3A_141 : i32
      %sign3A_143 = arith.extui %sign3A_142 : i1 to i32
      %sign3A_144 = arith.subi %sign3A_140, %sign3A_143 : i32
      %sign3A_145 = arith.constant 0 : i32
      %sign3A_146 = arith.cmpi sgt, %jit3A, %sign3A_145 : i32
      %sign3A_147 = arith.extui %sign3A_146 : i1 to i32
      %sign3A_148 = arith.constant 0 : i32
      %sign3A_149 = arith.cmpi slt, %jit3A, %sign3A_148 : i32
      %sign3A_150 = arith.extui %sign3A_149 : i1 to i32
      %sign3A_151 = arith.subi %sign3A_147, %sign3A_150 : i32
      %ne3A = arith.cmpi ne, %sign3A_144, %sign3A_151 : i32
      %rem3A = arith.remsi %scan3A_137, %jit3A : i32
      %ne3A_152 = arith.constant 0 : i32
      %ne3A_153 = arith.cmpi ne, %rem3A, %ne3A_152 : i32
      %and3A = arith.andi %ne3A, %ne3A_153 : i1
      %sub3A = arith.constant 1 : i32
      %sub3A_154 = arith.subi %div3A, %sub3A : i32
      %select_n3A = arith.select %and3A, %sub3A_154, %div3A : i32
      %rem3A_155 = arith.constant 5 : i32
      %rem3A_156 = arith.remsi %scan3A_137, %rem3A_155 : i32
      %rem3A_157 = arith.constant 2 : i32
      %rem3A_158 = arith.remsi %select_n3A, %rem3A_157 : i32
      %rem3A_159 = arith.constant 3 : i32
      %rem3A_160 = arith.remsi %scan3A_137, %rem3A_159 : i32
      %dma_wait3A_161 = arith.constant 0 : i32
      %dma_wait3A_162 = arith.constant 0 : i32
      %dma_wait3A_163 = tpu.memref_slice %arg9[%rem3A_160, %dma_wait3A_161, %dma_wait3A_162] : memref<3x112x128xf32, #tpu.memory_space<vmem>> -> memref<1x112x128xf32, #tpu.memory_space<vmem>>
      %dma_wait3A_164 = tpu.memref_squeeze %dma_wait3A_163 : memref<1x112x128xf32, #tpu.memory_space<vmem>> -> memref<112x128xf32, #tpu.memory_space<vmem>>
      %dma_wait3A_165 = arith.constant 0 : i32
      %dma_wait3A_166 = tpu.memref_slice %arg7[%rem3A_158, %rem3A_156, %dma_wait3A_165] : memref<2x5x112xi32, #tpu.memory_space<vmem>> -> memref<1x1x112xi32, #tpu.memory_space<vmem>>
      %dma_wait3A_167 = tpu.memref_squeeze %dma_wait3A_166 : memref<1x1x112xi32, #tpu.memory_space<vmem>> -> memref<112xi32, #tpu.memory_space<vmem>>
      %dma_wait3A_168 = arith.constant 0 : i32
      %dma_wait3A_169 = arith.constant 0 : i32
      %dma_wait3A_170 = tpu.memref_slice %arg2[%dma_wait3A_168, %dma_wait3A_169] : memref<10000x128xf32, #tpu.memory_space<hbm>> -> memref<10000x128xf32, #tpu.memory_space<hbm>>
      %dma_wait3A_171 = tpu.memref_slice %arg11[%rem3A_160] : memref<3x!tpu.dma_semaphore, #tpu.memory_space<semaphore_mem>> -> memref<1x!tpu.dma_semaphore, #tpu.memory_space<semaphore_mem>>
      %dma_wait3A_172 = tpu.memref_squeeze %dma_wait3A_171 : memref<1x!tpu.dma_semaphore, #tpu.memory_space<semaphore_mem>> -> memref<!tpu.dma_semaphore, #tpu.memory_space<semaphore_mem>>
      tpu.wait_indirect_dma semaphore(%dma_wait3A_172 : memref<!tpu.dma_semaphore, #tpu.memory_space<semaphore_mem>>) src(%dma_wait3A_170 : memref<10000x128xf32, #tpu.memory_space<hbm>>) dst(%dma_wait3A_164 : memref<112x128xf32, #tpu.memory_space<vmem>>)
      %dma_start3A_173 = arith.constant 0 : i32
      %dma_start3A_174 = arith.constant 0 : i32
      %dma_start3A_175 = tpu.memref_slice %arg9[%rem3A_160, %dma_start3A_173, %dma_start3A_174] : memref<3x112x128xf32, #tpu.memory_space<vmem>> -> memref<1x112x128xf32, #tpu.memory_space<vmem>>
      %dma_start3A_176 = tpu.memref_squeeze %dma_start3A_175 : memref<1x112x128xf32, #tpu.memory_space<vmem>> -> memref<112x128xf32, #tpu.memory_space<vmem>>
      %dma_start3A_177 = arith.constant 0 : i32
      %dma_start3A_178 = tpu.memref_slice %arg8[%rem3A_158, %rem3A_156, %dma_start3A_177] : memref<2x5x112xi32, #tpu.memory_space<vmem>> -> memref<1x1x112xi32, #tpu.memory_space<vmem>>
      %dma_start3A_179 = tpu.memref_squeeze %dma_start3A_178 : memref<1x1x112xi32, #tpu.memory_space<vmem>> -> memref<112xi32, #tpu.memory_space<vmem>>
      %dma_start3A_180 = arith.constant 0 : i32
      %dma_start3A_181 = arith.constant 0 : i32
      %dma_start3A_182 = tpu.memref_slice %arg13[%dma_start3A_180, %dma_start3A_181] : memref<10240x128xf32, #tpu.memory_space<vmem_shared>> -> memref<10240x128xf32, #tpu.memory_space<vmem_shared>>
      %dma_start3A_183 = tpu.memref_slice %arg12[%rem3A_160] : memref<3x!tpu.dma_semaphore, #tpu.memory_space<semaphore_mem>> -> memref<1x!tpu.dma_semaphore, #tpu.memory_space<semaphore_mem>>
      %dma_start3A_184 = tpu.memref_squeeze %dma_start3A_183 : memref<1x!tpu.dma_semaphore, #tpu.memory_space<semaphore_mem>> -> memref<!tpu.dma_semaphore, #tpu.memory_space<semaphore_mem>>
      tpu.enqueue_indirect_dma source(%dma_start3A_176 : memref<112x128xf32, #tpu.memory_space<vmem>>) target(%dma_start3A_182 : memref<10240x128xf32, #tpu.memory_space<vmem_shared>>) offsets(%dma_start3A_179 : memref<112xi32, #tpu.memory_space<vmem>>) semaphore(%dma_start3A_184 : memref<!tpu.dma_semaphore, #tpu.memory_space<semaphore_mem>>) {add = true}
      %eq3A = arith.constant 3 : i32
      %eq3A_185 = arith.cmpi eq, %rem3A_156, %eq3A : i32
      %add3A_186 = arith.constant 1 : i32
      %add3A_187 = arith.addi %select_n3A, %add3A_186 : i32
      %lt3A = arith.constant 18 : i32
      %lt3A_188 = arith.cmpi slt, %add3A_187, %lt3A : i32
      %and3A_189 = arith.andi %eq3A_185, %lt3A_188 : i1
      %convert_element_type3A = arith.extui %and3A_189 : i1 to i32
      %cond3A = arith.constant 0 : i32
      %cond3A_190 = arith.cmpi ne, %convert_element_type3A, %cond3A : i32
      scf.if %cond3A_190 {
        %add3A_219 = arith.constant 1 : i32
        %add3A_220 = arith.addi %select_n3A, %add3A_219 : i32
        %rem3A_221 = arith.constant 2 : i32
        %rem3A_222 = arith.remsi %add3A_220, %rem3A_221 : i32
        %add3A_223 = arith.constant 1 : i32
        %add3A_224 = arith.addi %select_n3A, %add3A_223 : i32
        %dma_wait3A_225 = arith.constant 0 : i32
        %dma_wait3A_226 = arith.constant 0 : i32
        %dma_wait3A_227 = tpu.memref_slice %arg7[%rem3A_222, %dma_wait3A_225, %dma_wait3A_226] : memref<2x5x112xi32, #tpu.memory_space<vmem>> -> memref<1x5x112xi32, #tpu.memory_space<vmem>>
        %dma_wait3A_228 = tpu.memref_squeeze %dma_wait3A_227 : memref<1x5x112xi32, #tpu.memory_space<vmem>> -> memref<5x112xi32, #tpu.memory_space<vmem>>
        %dma_wait3A_229 = arith.constant 0 : i32
        %dma_wait3A_230 = arith.constant 0 : i32
        %dma_wait3A_231 = tpu.memref_slice %arg3[%add3A, %add3A_224, %dma_wait3A_229, %dma_wait3A_230] : memref<32x18x5x112xi32, #tpu.memory_space<hbm>> -> memref<1x1x5x112xi32, #tpu.memory_space<hbm>>
        %dma_wait3A_232 = tpu.memref_squeeze %dma_wait3A_231 : memref<1x1x5x112xi32, #tpu.memory_space<hbm>> -> memref<5x112xi32, #tpu.memory_space<hbm>>
        %dma_wait3A_233 = tpu.memref_slice %arg10[%rem3A_222] : memref<2x!tpu.dma_semaphore, #tpu.memory_space<semaphore_mem>> -> memref<1x!tpu.dma_semaphore, #tpu.memory_space<semaphore_mem>>
        %dma_wait3A_234 = tpu.memref_squeeze %dma_wait3A_233 : memref<1x!tpu.dma_semaphore, #tpu.memory_space<semaphore_mem>> -> memref<!tpu.dma_semaphore, #tpu.memory_space<semaphore_mem>>
        %dma_wait3A_235 = arith.constant 0 : i32
        %dma_wait3A_236 = arith.constant 0 : i32
        %dma_wait3A_237 = tpu.memref_slice %arg7[%rem3A_222, %dma_wait3A_235, %dma_wait3A_236] : memref<2x5x112xi32, #tpu.memory_space<vmem>> -> memref<1x5x112xi32, #tpu.memory_space<vmem>>
        %dma_wait3A_238 = tpu.memref_squeeze %dma_wait3A_237 : memref<1x5x112xi32, #tpu.memory_space<vmem>> -> memref<5x112xi32, #tpu.memory_space<vmem>>
        %dma_wait3A_239 = arith.constant 0 : i32
        %dma_wait3A_240 = arith.constant 0 : i32
        %dma_wait3A_241 = tpu.memref_slice %arg3[%add3A, %add3A_224, %dma_wait3A_239, %dma_wait3A_240] : memref<32x18x5x112xi32, #tpu.memory_space<hbm>> -> memref<1x1x5x112xi32, #tpu.memory_space<hbm>>
        %dma_wait3A_242 = tpu.memref_squeeze %dma_wait3A_241 : memref<1x1x5x112xi32, #tpu.memory_space<hbm>> -> memref<5x112xi32, #tpu.memory_space<hbm>>
        tpu.wait_dma2 semaphore(%dma_wait3A_234 : memref<!tpu.dma_semaphore, #tpu.memory_space<semaphore_mem>>) src(%dma_wait3A_242 : memref<5x112xi32, #tpu.memory_space<hbm>>) dst(%dma_wait3A_238 : memref<5x112xi32, #tpu.memory_space<vmem>>)
        %add3A_243 = arith.constant 1 : i32
        %add3A_244 = arith.addi %select_n3A, %add3A_243 : i32
        %dma_wait3A_245 = arith.constant 0 : i32
        %dma_wait3A_246 = arith.constant 0 : i32
        %dma_wait3A_247 = tpu.memref_slice %arg8[%rem3A_222, %dma_wait3A_245, %dma_wait3A_246] : memref<2x5x112xi32, #tpu.memory_space<vmem>> -> memref<1x5x112xi32, #tpu.memory_space<vmem>>
        %dma_wait3A_248 = tpu.memref_squeeze %dma_wait3A_247 : memref<1x5x112xi32, #tpu.memory_space<vmem>> -> memref<5x112xi32, #tpu.memory_space<vmem>>
        %dma_wait3A_249 = arith.constant 0 : i32
        %dma_wait3A_250 = arith.constant 0 : i32
        %dma_wait3A_251 = tpu.memref_slice %arg4[%add3A, %add3A_244, %dma_wait3A_249, %dma_wait3A_250] : memref<32x18x5x112xi32, #tpu.memory_space<hbm>> -> memref<1x1x5x112xi32, #tpu.memory_space<hbm>>
        %dma_wait3A_252 = tpu.memref_squeeze %dma_wait3A_251 : memref<1x1x5x112xi32, #tpu.memory_space<hbm>> -> memref<5x112xi32, #tpu.memory_space<hbm>>
        %dma_wait3A_253 = tpu.memref_slice %arg10[%rem3A_222] : memref<2x!tpu.dma_semaphore, #tpu.memory_space<semaphore_mem>> -> memref<1x!tpu.dma_semaphore, #tpu.memory_space<semaphore_mem>>
        %dma_wait3A_254 = tpu.memref_squeeze %dma_wait3A_253 : memref<1x!tpu.dma_semaphore, #tpu.memory_space<semaphore_mem>> -> memref<!tpu.dma_semaphore, #tpu.memory_space<semaphore_mem>>
        %dma_wait3A_255 = arith.constant 0 : i32
        %dma_wait3A_256 = arith.constant 0 : i32
        %dma_wait3A_257 = tpu.memref_slice %arg8[%rem3A_222, %dma_wait3A_255, %dma_wait3A_256] : memref<2x5x112xi32, #tpu.memory_space<vmem>> -> memref<1x5x112xi32, #tpu.memory_space<vmem>>
        %dma_wait3A_258 = tpu.memref_squeeze %dma_wait3A_257 : memref<1x5x112xi32, #tpu.memory_space<vmem>> -> memref<5x112xi32, #tpu.memory_space<vmem>>
        %dma_wait3A_259 = arith.constant 0 : i32
        %dma_wait3A_260 = arith.constant 0 : i32
        %dma_wait3A_261 = tpu.memref_slice %arg4[%add3A, %add3A_244, %dma_wait3A_259, %dma_wait3A_260] : memref<32x18x5x112xi32, #tpu.memory_space<hbm>> -> memref<1x1x5x112xi32, #tpu.memory_space<hbm>>
        %dma_wait3A_262 = tpu.memref_squeeze %dma_wait3A_261 : memref<1x1x5x112xi32, #tpu.memory_space<hbm>> -> memref<5x112xi32, #tpu.memory_space<hbm>>
        tpu.wait_dma2 semaphore(%dma_wait3A_254 : memref<!tpu.dma_semaphore, #tpu.memory_space<semaphore_mem>>) src(%dma_wait3A_262 : memref<5x112xi32, #tpu.memory_space<hbm>>) dst(%dma_wait3A_258 : memref<5x112xi32, #tpu.memory_space<vmem>>)
      } else {
      }
      %ge3A = arith.constant 1 : i32
      %ge3A_191 = arith.cmpi sge, %scan3A_137, %ge3A : i32
      %add3A_192 = arith.constant 2 : i32
      %add3A_193 = arith.addi %scan3A_137, %add3A_192 : i32
      %lt3A_194 = arith.constant 90 : i32
      %lt3A_195 = arith.cmpi slt, %add3A_193, %lt3A_194 : i32
      %and3A_196 = arith.andi %ge3A_191, %lt3A_195 : i1
      %convert_element_type3A_197 = arith.extui %and3A_196 : i1 to i32
      %cond3A_198 = arith.constant 0 : i32
      %cond3A_199 = arith.cmpi ne, %convert_element_type3A_197, %cond3A_198 : i32
      scf.if %cond3A_199 {
        %sub3A_219 = arith.constant 1 : i32
        %sub3A_220 = arith.subi %scan3A_137, %sub3A_219 : i32
        %add3A_221 = arith.constant 2 : i32
        %add3A_222 = arith.addi %scan3A_137, %add3A_221 : i32
        %rem3A_223 = arith.constant 3 : i32
        %rem3A_224 = arith.remsi %add3A_222, %rem3A_223 : i32
        %jit3A_225 = arith.constant 5 : i32
        %div3A_226 = arith.divsi %sub3A_220, %jit3A_225 : i32
        %sign3A_227 = arith.constant 0 : i32
        %sign3A_228 = arith.cmpi sgt, %sub3A_220, %sign3A_227 : i32
        %sign3A_229 = arith.extui %sign3A_228 : i1 to i32
        %sign3A_230 = arith.constant 0 : i32
        %sign3A_231 = arith.cmpi slt, %sub3A_220, %sign3A_230 : i32
        %sign3A_232 = arith.extui %sign3A_231 : i1 to i32
        %sign3A_233 = arith.subi %sign3A_229, %sign3A_232 : i32
        %sign3A_234 = arith.constant 0 : i32
        %sign3A_235 = arith.cmpi sgt, %jit3A_225, %sign3A_234 : i32
        %sign3A_236 = arith.extui %sign3A_235 : i1 to i32
        %sign3A_237 = arith.constant 0 : i32
        %sign3A_238 = arith.cmpi slt, %jit3A_225, %sign3A_237 : i32
        %sign3A_239 = arith.extui %sign3A_238 : i1 to i32
        %sign3A_240 = arith.subi %sign3A_236, %sign3A_239 : i32
        %ne3A_241 = arith.cmpi ne, %sign3A_233, %sign3A_240 : i32
        %rem3A_242 = arith.remsi %sub3A_220, %jit3A_225 : i32
        %ne3A_243 = arith.constant 0 : i32
        %ne3A_244 = arith.cmpi ne, %rem3A_242, %ne3A_243 : i32
        %and3A_245 = arith.andi %ne3A_241, %ne3A_244 : i1
        %sub3A_246 = arith.constant 1 : i32
        %sub3A_247 = arith.subi %div3A_226, %sub3A_246 : i32
        %select_n3A_248 = arith.select %and3A_245, %sub3A_247, %div3A_226 : i32
        %rem3A_249 = arith.constant 2 : i32
        %rem3A_250 = arith.remsi %select_n3A_248, %rem3A_249 : i32
        %rem3A_251 = arith.constant 5 : i32
        %rem3A_252 = arith.remsi %sub3A_220, %rem3A_251 : i32
        %dma_wait3A_253 = arith.constant 0 : i32
        %dma_wait3A_254 = arith.constant 0 : i32
        %dma_wait3A_255 = tpu.memref_slice %arg9[%rem3A_224, %dma_wait3A_253, %dma_wait3A_254] : memref<3x112x128xf32, #tpu.memory_space<vmem>> -> memref<1x112x128xf32, #tpu.memory_space<vmem>>
        %dma_wait3A_256 = tpu.memref_squeeze %dma_wait3A_255 : memref<1x112x128xf32, #tpu.memory_space<vmem>> -> memref<112x128xf32, #tpu.memory_space<vmem>>
        %dma_wait3A_257 = arith.constant 0 : i32
        %dma_wait3A_258 = tpu.memref_slice %arg8[%rem3A_250, %rem3A_252, %dma_wait3A_257] : memref<2x5x112xi32, #tpu.memory_space<vmem>> -> memref<1x1x112xi32, #tpu.memory_space<vmem>>
        %dma_wait3A_259 = tpu.memref_squeeze %dma_wait3A_258 : memref<1x1x112xi32, #tpu.memory_space<vmem>> -> memref<112xi32, #tpu.memory_space<vmem>>
        %dma_wait3A_260 = arith.constant 0 : i32
        %dma_wait3A_261 = arith.constant 0 : i32
        %dma_wait3A_262 = tpu.memref_slice %arg13[%dma_wait3A_260, %dma_wait3A_261] : memref<10240x128xf32, #tpu.memory_space<vmem_shared>> -> memref<10240x128xf32, #tpu.memory_space<vmem_shared>>
        %dma_wait3A_263 = tpu.memref_slice %arg12[%rem3A_224] : memref<3x!tpu.dma_semaphore, #tpu.memory_space<semaphore_mem>> -> memref<1x!tpu.dma_semaphore, #tpu.memory_space<semaphore_mem>>
        %dma_wait3A_264 = tpu.memref_squeeze %dma_wait3A_263 : memref<1x!tpu.dma_semaphore, #tpu.memory_space<semaphore_mem>> -> memref<!tpu.dma_semaphore, #tpu.memory_space<semaphore_mem>>
        tpu.wait_indirect_dma semaphore(%dma_wait3A_264 : memref<!tpu.dma_semaphore, #tpu.memory_space<semaphore_mem>>) src(%dma_wait3A_256 : memref<112x128xf32, #tpu.memory_space<vmem>>) dst(%dma_wait3A_262 : memref<10240x128xf32, #tpu.memory_space<vmem_shared>>)
        %add3A_265 = arith.constant 2 : i32
        %add3A_266 = arith.addi %scan3A_137, %add3A_265 : i32
        %jit3A_267 = arith.constant 5 : i32
        %div3A_268 = arith.divsi %add3A_266, %jit3A_267 : i32
        %sign3A_269 = arith.constant 0 : i32
        %sign3A_270 = arith.cmpi sgt, %add3A_266, %sign3A_269 : i32
        %sign3A_271 = arith.extui %sign3A_270 : i1 to i32
        %sign3A_272 = arith.constant 0 : i32
        %sign3A_273 = arith.cmpi slt, %add3A_266, %sign3A_272 : i32
        %sign3A_274 = arith.extui %sign3A_273 : i1 to i32
        %sign3A_275 = arith.subi %sign3A_271, %sign3A_274 : i32
        %sign3A_276 = arith.constant 0 : i32
        %sign3A_277 = arith.cmpi sgt, %jit3A_267, %sign3A_276 : i32
        %sign3A_278 = arith.extui %sign3A_277 : i1 to i32
        %sign3A_279 = arith.constant 0 : i32
        %sign3A_280 = arith.cmpi slt, %jit3A_267, %sign3A_279 : i32
        %sign3A_281 = arith.extui %sign3A_280 : i1 to i32
        %sign3A_282 = arith.subi %sign3A_278, %sign3A_281 : i32
        %ne3A_283 = arith.cmpi ne, %sign3A_275, %sign3A_282 : i32
        %rem3A_284 = arith.remsi %add3A_266, %jit3A_267 : i32
        %ne3A_285 = arith.constant 0 : i32
        %ne3A_286 = arith.cmpi ne, %rem3A_284, %ne3A_285 : i32
        %and3A_287 = arith.andi %ne3A_283, %ne3A_286 : i1
        %sub3A_288 = arith.constant 1 : i32
        %sub3A_289 = arith.subi %div3A_268, %sub3A_288 : i32
        %select_n3A_290 = arith.select %and3A_287, %sub3A_289, %div3A_268 : i32
        %rem3A_291 = arith.constant 2 : i32
        %rem3A_292 = arith.remsi %select_n3A_290, %rem3A_291 : i32
        %rem3A_293 = arith.constant 5 : i32
        %rem3A_294 = arith.remsi %add3A_266, %rem3A_293 : i32
        %dma_start3A_295 = arith.constant 0 : i32
        %dma_start3A_296 = arith.constant 0 : i32
        %dma_start3A_297 = tpu.memref_slice %arg9[%rem3A_224, %dma_start3A_295, %dma_start3A_296] : memref<3x112x128xf32, #tpu.memory_space<vmem>> -> memref<1x112x128xf32, #tpu.memory_space<vmem>>
        %dma_start3A_298 = tpu.memref_squeeze %dma_start3A_297 : memref<1x112x128xf32, #tpu.memory_space<vmem>> -> memref<112x128xf32, #tpu.memory_space<vmem>>
        %dma_start3A_299 = arith.constant 0 : i32
        %dma_start3A_300 = tpu.memref_slice %arg7[%rem3A_292, %rem3A_294, %dma_start3A_299] : memref<2x5x112xi32, #tpu.memory_space<vmem>> -> memref<1x1x112xi32, #tpu.memory_space<vmem>>
        %dma_start3A_301 = tpu.memref_squeeze %dma_start3A_300 : memref<1x1x112xi32, #tpu.memory_space<vmem>> -> memref<112xi32, #tpu.memory_space<vmem>>
        %dma_start3A_302 = arith.constant 0 : i32
        %dma_start3A_303 = arith.constant 0 : i32
        %dma_start3A_304 = tpu.memref_slice %arg2[%dma_start3A_302, %dma_start3A_303] : memref<10000x128xf32, #tpu.memory_space<hbm>> -> memref<10000x128xf32, #tpu.memory_space<hbm>>
        %dma_start3A_305 = tpu.memref_slice %arg11[%rem3A_224] : memref<3x!tpu.dma_semaphore, #tpu.memory_space<semaphore_mem>> -> memref<1x!tpu.dma_semaphore, #tpu.memory_space<semaphore_mem>>
        %dma_start3A_306 = tpu.memref_squeeze %dma_start3A_305 : memref<1x!tpu.dma_semaphore, #tpu.memory_space<semaphore_mem>> -> memref<!tpu.dma_semaphore, #tpu.memory_space<semaphore_mem>>
        tpu.enqueue_indirect_dma source(%dma_start3A_304 : memref<10000x128xf32, #tpu.memory_space<hbm>>) target(%dma_start3A_298 : memref<112x128xf32, #tpu.memory_space<vmem>>) offsets(%dma_start3A_301 : memref<112xi32, #tpu.memory_space<vmem>>) semaphore(%dma_start3A_306 : memref<!tpu.dma_semaphore, #tpu.memory_space<semaphore_mem>>)
      } else {
      }
      %eq3A_200 = arith.constant 0 : i32
      %eq3A_201 = arith.cmpi eq, %scan3A_137, %eq3A_200 : i32
      %convert_element_type3A_202 = arith.extui %eq3A_201 : i1 to i32
      %cond3A_203 = arith.constant 0 : i32
      %cond3A_204 = arith.cmpi ne, %convert_element_type3A_202, %cond3A_203 : i32
      scf.if %cond3A_204 {
        %dma_start3A_219 = arith.constant 0 : i32
        %dma_start3A_220 = arith.constant 2 : i32
        %dma_start3A_221 = arith.constant 2 : i32
        %dma_start3A_222 = arith.constant 2 : i32
        %dma_start3A_223 = arith.constant 0 : i32
        %dma_start3A_224 = arith.constant 0 : i32
        %dma_start3A_225 = tpu.memref_slice %arg9[%dma_start3A_221, %dma_start3A_223, %dma_start3A_224] : memref<3x112x128xf32, #tpu.memory_space<vmem>> -> memref<1x112x128xf32, #tpu.memory_space<vmem>>
        %dma_start3A_226 = tpu.memref_squeeze %dma_start3A_225 : memref<1x112x128xf32, #tpu.memory_space<vmem>> -> memref<112x128xf32, #tpu.memory_space<vmem>>
        %dma_start3A_227 = arith.constant 0 : i32
        %dma_start3A_228 = tpu.memref_slice %arg7[%dma_start3A_219, %dma_start3A_220, %dma_start3A_227] : memref<2x5x112xi32, #tpu.memory_space<vmem>> -> memref<1x1x112xi32, #tpu.memory_space<vmem>>
        %dma_start3A_229 = tpu.memref_squeeze %dma_start3A_228 : memref<1x1x112xi32, #tpu.memory_space<vmem>> -> memref<112xi32, #tpu.memory_space<vmem>>
        %dma_start3A_230 = arith.constant 0 : i32
        %dma_start3A_231 = arith.constant 0 : i32
        %dma_start3A_232 = tpu.memref_slice %arg2[%dma_start3A_230, %dma_start3A_231] : memref<10000x128xf32, #tpu.memory_space<hbm>> -> memref<10000x128xf32, #tpu.memory_space<hbm>>
        %dma_start3A_233 = tpu.memref_slice %arg11[%dma_start3A_222] : memref<3x!tpu.dma_semaphore, #tpu.memory_space<semaphore_mem>> -> memref<1x!tpu.dma_semaphore, #tpu.memory_space<semaphore_mem>>
        %dma_start3A_234 = tpu.memref_squeeze %dma_start3A_233 : memref<1x!tpu.dma_semaphore, #tpu.memory_space<semaphore_mem>> -> memref<!tpu.dma_semaphore, #tpu.memory_space<semaphore_mem>>
        tpu.enqueue_indirect_dma source(%dma_start3A_232 : memref<10000x128xf32, #tpu.memory_space<hbm>>) target(%dma_start3A_226 : memref<112x128xf32, #tpu.memory_space<vmem>>) offsets(%dma_start3A_229 : memref<112xi32, #tpu.memory_space<vmem>>) semaphore(%dma_start3A_234 : memref<!tpu.dma_semaphore, #tpu.memory_space<semaphore_mem>>)
      } else {
      }
      %eq3A_205 = arith.constant 0 : i32
      %eq3A_206 = arith.cmpi eq, %rem3A_156, %eq3A_205 : i32
      %ge3A_207 = arith.constant 1 : i32
      %ge3A_208 = arith.cmpi sge, %select_n3A, %ge3A_207 : i32
      %add3A_209 = arith.constant 1 : i32
      %add3A_210 = arith.addi %select_n3A, %add3A_209 : i32
      %lt3A_211 = arith.constant 18 : i32
      %lt3A_212 = arith.cmpi slt, %add3A_210, %lt3A_211 : i32
      %and3A_213 = arith.andi %ge3A_208, %lt3A_212 : i1
      %and3A_214 = arith.andi %eq3A_206, %and3A_213 : i1
      %convert_element_type3A_215 = arith.extui %and3A_214 : i1 to i32
      %cond3A_216 = arith.constant 0 : i32
      %cond3A_217 = arith.cmpi ne, %convert_element_type3A_215, %cond3A_216 : i32
      scf.if %cond3A_217 {
        %add3A_219 = arith.constant 1 : i32
        %add3A_220 = arith.addi %select_n3A, %add3A_219 : i32
        %rem3A_221 = arith.constant 2 : i32
        %rem3A_222 = arith.remsi %add3A_220, %rem3A_221 : i32
        %add3A_223 = arith.constant 1 : i32
        %add3A_224 = arith.addi %select_n3A, %add3A_223 : i32
        %dma_start3A_225 = arith.constant 0 : i32
        %dma_start3A_226 = arith.constant 0 : i32
        %dma_start3A_227 = tpu.memref_slice %arg7[%rem3A_222, %dma_start3A_225, %dma_start3A_226] : memref<2x5x112xi32, #tpu.memory_space<vmem>> -> memref<1x5x112xi32, #tpu.memory_space<vmem>>
        %dma_start3A_228 = tpu.memref_squeeze %dma_start3A_227 : memref<1x5x112xi32, #tpu.memory_space<vmem>> -> memref<5x112xi32, #tpu.memory_space<vmem>>
        %dma_start3A_229 = arith.constant 0 : i32
        %dma_start3A_230 = arith.constant 0 : i32
        %dma_start3A_231 = tpu.memref_slice %arg3[%add3A, %add3A_224, %dma_start3A_229, %dma_start3A_230] : memref<32x18x5x112xi32, #tpu.memory_space<hbm>> -> memref<1x1x5x112xi32, #tpu.memory_space<hbm>>
        %dma_start3A_232 = tpu.memref_squeeze %dma_start3A_231 : memref<1x1x5x112xi32, #tpu.memory_space<hbm>> -> memref<5x112xi32, #tpu.memory_space<hbm>>
        %dma_start3A_233 = tpu.memref_slice %arg10[%rem3A_222] : memref<2x!tpu.dma_semaphore, #tpu.memory_space<semaphore_mem>> -> memref<1x!tpu.dma_semaphore, #tpu.memory_space<semaphore_mem>>
        %dma_start3A_234 = tpu.memref_squeeze %dma_start3A_233 : memref<1x!tpu.dma_semaphore, #tpu.memory_space<semaphore_mem>> -> memref<!tpu.dma_semaphore, #tpu.memory_space<semaphore_mem>>
        %dma_start3A_235 = arith.constant 0 : i32
        %dma_start3A_236 = arith.constant 0 : i32
        %dma_start3A_237 = tpu.memref_slice %arg7[%rem3A_222, %dma_start3A_235, %dma_start3A_236] : memref<2x5x112xi32, #tpu.memory_space<vmem>> -> memref<1x5x112xi32, #tpu.memory_space<vmem>>
        %dma_start3A_238 = tpu.memref_squeeze %dma_start3A_237 : memref<1x5x112xi32, #tpu.memory_space<vmem>> -> memref<5x112xi32, #tpu.memory_space<vmem>>
        %dma_start3A_239 = arith.constant 0 : i32
        %dma_start3A_240 = arith.constant 0 : i32
        %dma_start3A_241 = tpu.memref_slice %arg3[%add3A, %add3A_224, %dma_start3A_239, %dma_start3A_240] : memref<32x18x5x112xi32, #tpu.memory_space<hbm>> -> memref<1x1x5x112xi32, #tpu.memory_space<hbm>>
        %dma_start3A_242 = tpu.memref_squeeze %dma_start3A_241 : memref<1x1x5x112xi32, #tpu.memory_space<hbm>> -> memref<5x112xi32, #tpu.memory_space<hbm>>
        tpu.enqueue_dma source(%dma_start3A_242 : memref<5x112xi32, #tpu.memory_space<hbm>>) target(%dma_start3A_238 : memref<5x112xi32, #tpu.memory_space<vmem>>) target_semaphore(%dma_start3A_234 : memref<!tpu.dma_semaphore, #tpu.memory_space<semaphore_mem>>)
        %add3A_243 = arith.constant 1 : i32
        %add3A_244 = arith.addi %select_n3A, %add3A_243 : i32
        %dma_start3A_245 = arith.constant 0 : i32
        %dma_start3A_246 = arith.constant 0 : i32
        %dma_start3A_247 = tpu.memref_slice %arg8[%rem3A_222, %dma_start3A_245, %dma_start3A_246] : memref<2x5x112xi32, #tpu.memory_space<vmem>> -> memref<1x5x112xi32, #tpu.memory_space<vmem>>
        %dma_start3A_248 = tpu.memref_squeeze %dma_start3A_247 : memref<1x5x112xi32, #tpu.memory_space<vmem>> -> memref<5x112xi32, #tpu.memory_space<vmem>>
        %dma_start3A_249 = arith.constant 0 : i32
        %dma_start3A_250 = arith.constant 0 : i32
        %dma_start3A_251 = tpu.memref_slice %arg4[%add3A, %add3A_244, %dma_start3A_249, %dma_start3A_250] : memref<32x18x5x112xi32, #tpu.memory_space<hbm>> -> memref<1x1x5x112xi32, #tpu.memory_space<hbm>>
        %dma_start3A_252 = tpu.memref_squeeze %dma_start3A_251 : memref<1x1x5x112xi32, #tpu.memory_space<hbm>> -> memref<5x112xi32, #tpu.memory_space<hbm>>
        %dma_start3A_253 = tpu.memref_slice %arg10[%rem3A_222] : memref<2x!tpu.dma_semaphore, #tpu.memory_space<semaphore_mem>> -> memref<1x!tpu.dma_semaphore, #tpu.memory_space<semaphore_mem>>
        %dma_start3A_254 = tpu.memref_squeeze %dma_start3A_253 : memref<1x!tpu.dma_semaphore, #tpu.memory_space<semaphore_mem>> -> memref<!tpu.dma_semaphore, #tpu.memory_space<semaphore_mem>>
        %dma_start3A_255 = arith.constant 0 : i32
        %dma_start3A_256 = arith.constant 0 : i32
        %dma_start3A_257 = tpu.memref_slice %arg8[%rem3A_222, %dma_start3A_255, %dma_start3A_256] : memref<2x5x112xi32, #tpu.memory_space<vmem>> -> memref<1x5x112xi32, #tpu.memory_space<vmem>>
        %dma_start3A_258 = tpu.memref_squeeze %dma_start3A_257 : memref<1x5x112xi32, #tpu.memory_space<vmem>> -> memref<5x112xi32, #tpu.memory_space<vmem>>
        %dma_start3A_259 = arith.constant 0 : i32
        %dma_start3A_260 = arith.constant 0 : i32
        %dma_start3A_261 = tpu.memref_slice %arg4[%add3A, %add3A_244, %dma_start3A_259, %dma_start3A_260] : memref<32x18x5x112xi32, #tpu.memory_space<hbm>> -> memref<1x1x5x112xi32, #tpu.memory_space<hbm>>
        %dma_start3A_262 = tpu.memref_squeeze %dma_start3A_261 : memref<1x1x5x112xi32, #tpu.memory_space<hbm>> -> memref<5x112xi32, #tpu.memory_space<hbm>>
        tpu.enqueue_dma source(%dma_start3A_262 : memref<5x112xi32, #tpu.memory_space<hbm>>) target(%dma_start3A_258 : memref<5x112xi32, #tpu.memory_space<vmem>>) target_semaphore(%dma_start3A_254 : memref<!tpu.dma_semaphore, #tpu.memory_space<semaphore_mem>>)
      } else {
      }
      %scan3A_218 = arith.constant 0 : i32
      scf.yield %scan3A_218 : i32
    }
    %scan3A_84 = arith.constant 90 : i32
    %dma_wait3A = arith.constant 0 : i32
    %dma_wait3A_85 = arith.constant 1 : i32
    %dma_wait3A_86 = arith.constant 2 : i32
    %dma_wait3A_87 = arith.constant 0 : i32
    %dma_wait3A_88 = arith.constant 0 : i32
    %dma_wait3A_89 = arith.constant 0 : i32
    %dma_wait3A_90 = tpu.memref_slice %arg9[%dma_wait3A, %dma_wait3A_88, %dma_wait3A_89] : memref<3x112x128xf32, #tpu.memory_space<vmem>> -> memref<1x112x128xf32, #tpu.memory_space<vmem>>
    %dma_wait3A_91 = tpu.memref_squeeze %dma_wait3A_90 : memref<1x112x128xf32, #tpu.memory_space<vmem>> -> memref<112x128xf32, #tpu.memory_space<vmem>>
    %dma_wait3A_92 = arith.constant 0 : i32
    %dma_wait3A_93 = tpu.memref_slice %arg8[%dma_wait3A_85, %dma_wait3A_86, %dma_wait3A_92] : memref<2x5x112xi32, #tpu.memory_space<vmem>> -> memref<1x1x112xi32, #tpu.memory_space<vmem>>
    %dma_wait3A_94 = tpu.memref_squeeze %dma_wait3A_93 : memref<1x1x112xi32, #tpu.memory_space<vmem>> -> memref<112xi32, #tpu.memory_space<vmem>>
    %dma_wait3A_95 = arith.constant 0 : i32
    %dma_wait3A_96 = arith.constant 0 : i32
    %dma_wait3A_97 = tpu.memref_slice %arg13[%dma_wait3A_95, %dma_wait3A_96] : memref<10240x128xf32, #tpu.memory_space<vmem_shared>> -> memref<10240x128xf32, #tpu.memory_space<vmem_shared>>
    %dma_wait3A_98 = tpu.memref_slice %arg12[%dma_wait3A_87] : memref<3x!tpu.dma_semaphore, #tpu.memory_space<semaphore_mem>> -> memref<1x!tpu.dma_semaphore, #tpu.memory_space<semaphore_mem>>
    %dma_wait3A_99 = tpu.memref_squeeze %dma_wait3A_98 : memref<1x!tpu.dma_semaphore, #tpu.memory_space<semaphore_mem>> -> memref<!tpu.dma_semaphore, #tpu.memory_space<semaphore_mem>>
    tpu.wait_indirect_dma semaphore(%dma_wait3A_99 : memref<!tpu.dma_semaphore, #tpu.memory_space<semaphore_mem>>) src(%dma_wait3A_91 : memref<112x128xf32, #tpu.memory_space<vmem>>) dst(%dma_wait3A_97 : memref<10240x128xf32, #tpu.memory_space<vmem_shared>>)
    %dma_wait3A_100 = arith.constant 1 : i32
    %dma_wait3A_101 = arith.constant 1 : i32
    %dma_wait3A_102 = arith.constant 3 : i32
    %dma_wait3A_103 = arith.constant 1 : i32
    %dma_wait3A_104 = arith.constant 0 : i32
    %dma_wait3A_105 = arith.constant 0 : i32
    %dma_wait3A_106 = tpu.memref_slice %arg9[%dma_wait3A_100, %dma_wait3A_104, %dma_wait3A_105] : memref<3x112x128xf32, #tpu.memory_space<vmem>> -> memref<1x112x128xf32, #tpu.memory_space<vmem>>
    %dma_wait3A_107 = tpu.memref_squeeze %dma_wait3A_106 : memref<1x112x128xf32, #tpu.memory_space<vmem>> -> memref<112x128xf32, #tpu.memory_space<vmem>>
    %dma_wait3A_108 = arith.constant 0 : i32
    %dma_wait3A_109 = tpu.memref_slice %arg8[%dma_wait3A_101, %dma_wait3A_102, %dma_wait3A_108] : memref<2x5x112xi32, #tpu.memory_space<vmem>> -> memref<1x1x112xi32, #tpu.memory_space<vmem>>
    %dma_wait3A_110 = tpu.memref_squeeze %dma_wait3A_109 : memref<1x1x112xi32, #tpu.memory_space<vmem>> -> memref<112xi32, #tpu.memory_space<vmem>>
    %dma_wait3A_111 = arith.constant 0 : i32
    %dma_wait3A_112 = arith.constant 0 : i32
    %dma_wait3A_113 = tpu.memref_slice %arg13[%dma_wait3A_111, %dma_wait3A_112] : memref<10240x128xf32, #tpu.memory_space<vmem_shared>> -> memref<10240x128xf32, #tpu.memory_space<vmem_shared>>
    %dma_wait3A_114 = tpu.memref_slice %arg12[%dma_wait3A_103] : memref<3x!tpu.dma_semaphore, #tpu.memory_space<semaphore_mem>> -> memref<1x!tpu.dma_semaphore, #tpu.memory_space<semaphore_mem>>
    %dma_wait3A_115 = tpu.memref_squeeze %dma_wait3A_114 : memref<1x!tpu.dma_semaphore, #tpu.memory_space<semaphore_mem>> -> memref<!tpu.dma_semaphore, #tpu.memory_space<semaphore_mem>>
    tpu.wait_indirect_dma semaphore(%dma_wait3A_115 : memref<!tpu.dma_semaphore, #tpu.memory_space<semaphore_mem>>) src(%dma_wait3A_107 : memref<112x128xf32, #tpu.memory_space<vmem>>) dst(%dma_wait3A_113 : memref<10240x128xf32, #tpu.memory_space<vmem_shared>>)
    %dma_wait3A_116 = arith.constant 2 : i32
    %dma_wait3A_117 = arith.constant 1 : i32
    %dma_wait3A_118 = arith.constant 4 : i32
    %dma_wait3A_119 = arith.constant 2 : i32
    %dma_wait3A_120 = arith.constant 0 : i32
    %dma_wait3A_121 = arith.constant 0 : i32
    %dma_wait3A_122 = tpu.memref_slice %arg9[%dma_wait3A_116, %dma_wait3A_120, %dma_wait3A_121] : memref<3x112x128xf32, #tpu.memory_space<vmem>> -> memref<1x112x128xf32, #tpu.memory_space<vmem>>
    %dma_wait3A_123 = tpu.memref_squeeze %dma_wait3A_122 : memref<1x112x128xf32, #tpu.memory_space<vmem>> -> memref<112x128xf32, #tpu.memory_space<vmem>>
    %dma_wait3A_124 = arith.constant 0 : i32
    %dma_wait3A_125 = tpu.memref_slice %arg8[%dma_wait3A_117, %dma_wait3A_118, %dma_wait3A_124] : memref<2x5x112xi32, #tpu.memory_space<vmem>> -> memref<1x1x112xi32, #tpu.memory_space<vmem>>
    %dma_wait3A_126 = tpu.memref_squeeze %dma_wait3A_125 : memref<1x1x112xi32, #tpu.memory_space<vmem>> -> memref<112xi32, #tpu.memory_space<vmem>>
    %dma_wait3A_127 = arith.constant 0 : i32
    %dma_wait3A_128 = arith.constant 0 : i32
    %dma_wait3A_129 = tpu.memref_slice %arg13[%dma_wait3A_127, %dma_wait3A_128] : memref<10240x128xf32, #tpu.memory_space<vmem_shared>> -> memref<10240x128xf32, #tpu.memory_space<vmem_shared>>
    %dma_wait3A_130 = tpu.memref_slice %arg12[%dma_wait3A_119] : memref<3x!tpu.dma_semaphore, #tpu.memory_space<semaphore_mem>> -> memref<1x!tpu.dma_semaphore, #tpu.memory_space<semaphore_mem>>
    %dma_wait3A_131 = tpu.memref_squeeze %dma_wait3A_130 : memref<1x!tpu.dma_semaphore, #tpu.memory_space<semaphore_mem>> -> memref<!tpu.dma_semaphore, #tpu.memory_space<semaphore_mem>>
    tpu.wait_indirect_dma semaphore(%dma_wait3A_131 : memref<!tpu.dma_semaphore, #tpu.memory_space<semaphore_mem>>) src(%dma_wait3A_123 : memref<112x128xf32, #tpu.memory_space<vmem>>) dst(%dma_wait3A_129 : memref<10240x128xf32, #tpu.memory_space<vmem_shared>>)
    %barrier3A_132 = arith.constant 0 : index
    tpu.barrier barrier_id(%barrier3A_132)
    %mul3A_133 = arith.constant 640 : i32
    %mul3A_134 = arith.muli %arg1, %mul3A_133 : i32
    %mul3A_135 = arith.constant 640 : i32
    %mul3A_136 = arith.muli %arg1, %mul3A_135 : i32
    "tpu.region"() ({
      %run_scoped3A_137 = tpu.sem_alloc : memref<!tpu.dma_semaphore, #tpu.memory_space<semaphore_mem>>
      %dma_start3A_138 = arith.constant 0 : i32
      %dma_start3A_139 = arith.constant 0 : i32
      %dma_start3A_140 = tpu.memref_slice %arg6[%arg0, %dma_start3A_138, %dma_start3A_139] : memref<2x10240x128xf32, #tpu.memory_space<hbm>> -> memref<1x10240x128xf32, #tpu.memory_space<hbm>>
      %dma_start3A_141 = tpu.memref_squeeze %dma_start3A_140 : memref<1x10240x128xf32, #tpu.memory_space<hbm>> -> memref<10240x128xf32, #tpu.memory_space<hbm>>
      %dma_start3A_142 = arith.constant 0 : i32
      %dma_start3A_143 = tpu.memref_slice %dma_start3A_141[%mul3A_136, %dma_start3A_142] : memref<10240x128xf32, #tpu.memory_space<hbm>> -> memref<640x128xf32, #tpu.memory_space<hbm>>
      %dma_start3A_144 = arith.constant 0 : i32
      %dma_start3A_145 = tpu.memref_slice %arg13[%mul3A_134, %dma_start3A_144] : memref<10240x128xf32, #tpu.memory_space<vmem_shared>> -> memref<640x128xf32, #tpu.memory_space<vmem_shared>>
      tpu.enqueue_dma source(%dma_start3A_145 : memref<640x128xf32, #tpu.memory_space<vmem_shared>>) target(%dma_start3A_143 : memref<640x128xf32, #tpu.memory_space<hbm>>) target_semaphore(%run_scoped3A_137 : memref<!tpu.dma_semaphore, #tpu.memory_space<semaphore_mem>>)
      %dma_wait3A_146 = arith.constant 0 : i32
      %dma_wait3A_147 = arith.constant 0 : i32
      %dma_wait3A_148 = tpu.memref_slice %arg6[%arg0, %dma_wait3A_146, %dma_wait3A_147] : memref<2x10240x128xf32, #tpu.memory_space<hbm>> -> memref<1x10240x128xf32, #tpu.memory_space<hbm>>
      %dma_wait3A_149 = tpu.memref_squeeze %dma_wait3A_148 : memref<1x10240x128xf32, #tpu.memory_space<hbm>> -> memref<10240x128xf32, #tpu.memory_space<hbm>>
      %dma_wait3A_150 = arith.constant 0 : i32
      %dma_wait3A_151 = tpu.memref_slice %dma_wait3A_149[%mul3A_136, %dma_wait3A_150] : memref<10240x128xf32, #tpu.memory_space<hbm>> -> memref<640x128xf32, #tpu.memory_space<hbm>>
      %dma_wait3A_152 = arith.constant 0 : i32
      %dma_wait3A_153 = tpu.memref_slice %arg13[%mul3A_134, %dma_wait3A_152] : memref<10240x128xf32, #tpu.memory_space<vmem_shared>> -> memref<640x128xf32, #tpu.memory_space<vmem_shared>>
      tpu.wait_dma2 semaphore(%run_scoped3A_137 : memref<!tpu.dma_semaphore, #tpu.memory_space<semaphore_mem>>) src(%dma_wait3A_153 : memref<640x128xf32, #tpu.memory_space<vmem_shared>>) dst(%dma_wait3A_151 : memref<640x128xf32, #tpu.memory_space<hbm>>)
      tpu.yield
    }) : () -> ()
    return
  }
}

#map = affine_map<(d0, d1) -> (0, 0)>
#map1 = affine_map<(d0, d1) -> (0, 0, 0, 0)>
#map2 = affine_map<(d0, d1) -> (0, 0, 0)>
module attributes {stable_mosaic.version = 14 : i64} {
  func.func @_sc_hop(%arg0: i32, %arg1: i32, %arg2: memref<10000x128xf32, #tpu.memory_space<hbm>>, %arg3: memref<32x18x5x112xi32, #tpu.memory_space<hbm>>, %arg4: memref<32x18x5x112xi32, #tpu.memory_space<hbm>>, %arg5: memref<640x128xf32, #tpu.memory_space<hbm>>, %arg6: memref<2x10240x128xf32, #tpu.memory_space<hbm>>, %arg7: memref<2x5x112xi32, #tpu.memory_space<vmem>>, %arg8: memref<2x5x112xi32, #tpu.memory_space<vmem>>, %arg9: memref<3x112x128xf32, #tpu.memory_space<vmem>>, %arg10: memref<2x!tpu.dma_semaphore, #tpu.memory_space<semaphore_mem>>, %arg11: memref<3x!tpu.dma_semaphore, #tpu.memory_space<semaphore_mem>>, %arg12: memref<3x!tpu.dma_semaphore, #tpu.memory_space<semaphore_mem>>, %arg13: memref<10240x128xf32, #tpu.memory_space<vmem_shared>>) attributes {dimension_semantics = [#tpu.dimension_semantics<core_parallel>, #tpu.dimension_semantics<subcore_parallel>], iteration_bounds = array<i64: 2, 16>, scalar_prefetch = 0 : i64, scratch_operands = 7 : i64, tpu.core_type = #tpu.core_type<sc_vector_subcore>, window_params = [{transform_indices = #map}, {transform_indices = #map1}, {transform_indices = #map1}, {transform_indices = #map}, {transform_indices = #map2}]} {
    %mul3A = arith.constant 16 : i32
    %mul3A_0 = arith.muli %arg0, %mul3A : i32
    %add3A = arith.addi %mul3A_0, %arg1 : i32
    %mul3A_1 = arith.constant 640 : i32
    %mul3A_2 = arith.muli %arg1, %mul3A_1 : i32
    "tpu.region"() ({
      %run_scoped3A_137 = tpu.sem_alloc : memref<!tpu.dma_semaphore, #tpu.memory_space<semaphore_mem>>
      %dma_start3A_138 = arith.constant 0 : i32
      %dma_start3A_139 = tpu.memref_slice %arg13[%mul3A_2, %dma_start3A_138] : memref<10240x128xf32, #tpu.memory_space<vmem_shared>> -> memref<640x128xf32, #tpu.memory_space<vmem_shared>>
      tpu.enqueue_dma source(%arg5 : memref<640x128xf32, #tpu.memory_space<hbm>>) target(%dma_start3A_139 : memref<640x128xf32, #tpu.memory_space<vmem_shared>>) target_semaphore(%run_scoped3A_137 : memref<!tpu.dma_semaphore, #tpu.memory_space<semaphore_mem>>)
      %dma_wait3A_140 = arith.constant 0 : i32
      %dma_wait3A_141 = tpu.memref_slice %arg13[%mul3A_2, %dma_wait3A_140] : memref<10240x128xf32, #tpu.memory_space<vmem_shared>> -> memref<640x128xf32, #tpu.memory_space<vmem_shared>>
      tpu.wait_dma2 semaphore(%run_scoped3A_137 : memref<!tpu.dma_semaphore, #tpu.memory_space<semaphore_mem>>) src(%arg5 : memref<640x128xf32, #tpu.memory_space<hbm>>) dst(%dma_wait3A_141 : memref<640x128xf32, #tpu.memory_space<vmem_shared>>)
      tpu.yield
    }) : () -> ()
    %run_scoped3A = arith.constant 0 : i32
    %run_scoped3A_3 = arith.constant 0 : i32
    "tpu.region"() ({
      %run_scoped3A_137 = tpu.sem_alloc : memref<!tpu.dma_semaphore, #tpu.memory_space<semaphore_mem>>
      %dma_start3A_138 = arith.constant 0 : i32
      %dma_start3A_139 = arith.constant 0 : i32
      %dma_start3A_140 = tpu.memref_slice %arg7[%run_scoped3A_3, %dma_start3A_138, %dma_start3A_139] : memref<2x5x112xi32, #tpu.memory_space<vmem>> -> memref<1x5x112xi32, #tpu.memory_space<vmem>>
      %dma_start3A_141 = tpu.memref_squeeze %dma_start3A_140 : memref<1x5x112xi32, #tpu.memory_space<vmem>> -> memref<5x112xi32, #tpu.memory_space<vmem>>
      %dma_start3A_142 = arith.constant 0 : i32
      %dma_start3A_143 = arith.constant 0 : i32
      %dma_start3A_144 = tpu.memref_slice %arg3[%add3A, %run_scoped3A, %dma_start3A_142, %dma_start3A_143] : memref<32x18x5x112xi32, #tpu.memory_space<hbm>> -> memref<1x1x5x112xi32, #tpu.memory_space<hbm>>
      %dma_start3A_145 = tpu.memref_squeeze %dma_start3A_144 : memref<1x1x5x112xi32, #tpu.memory_space<hbm>> -> memref<5x112xi32, #tpu.memory_space<hbm>>
      %dma_start3A_146 = arith.constant 0 : i32
      %dma_start3A_147 = arith.constant 0 : i32
      %dma_start3A_148 = tpu.memref_slice %arg7[%run_scoped3A_3, %dma_start3A_146, %dma_start3A_147] : memref<2x5x112xi32, #tpu.memory_space<vmem>> -> memref<1x5x112xi32, #tpu.memory_space<vmem>>
      %dma_start3A_149 = tpu.memref_squeeze %dma_start3A_148 : memref<1x5x112xi32, #tpu.memory_space<vmem>> -> memref<5x112xi32, #tpu.memory_space<vmem>>
      %dma_start3A_150 = arith.constant 0 : i32
      %dma_start3A_151 = arith.constant 0 : i32
      %dma_start3A_152 = tpu.memref_slice %arg3[%add3A, %run_scoped3A, %dma_start3A_150, %dma_start3A_151] : memref<32x18x5x112xi32, #tpu.memory_space<hbm>> -> memref<1x1x5x112xi32, #tpu.memory_space<hbm>>
      %dma_start3A_153 = tpu.memref_squeeze %dma_start3A_152 : memref<1x1x5x112xi32, #tpu.memory_space<hbm>> -> memref<5x112xi32, #tpu.memory_space<hbm>>
      tpu.enqueue_dma source(%dma_start3A_153 : memref<5x112xi32, #tpu.memory_space<hbm>>) target(%dma_start3A_149 : memref<5x112xi32, #tpu.memory_space<vmem>>) target_semaphore(%run_scoped3A_137 : memref<!tpu.dma_semaphore, #tpu.memory_space<semaphore_mem>>)
      %dma_wait3A_154 = arith.constant 0 : i32
      %dma_wait3A_155 = arith.constant 0 : i32
      %dma_wait3A_156 = tpu.memref_slice %arg7[%run_scoped3A_3, %dma_wait3A_154, %dma_wait3A_155] : memref<2x5x112xi32, #tpu.memory_space<vmem>> -> memref<1x5x112xi32, #tpu.memory_space<vmem>>
      %dma_wait3A_157 = tpu.memref_squeeze %dma_wait3A_156 : memref<1x5x112xi32, #tpu.memory_space<vmem>> -> memref<5x112xi32, #tpu.memory_space<vmem>>
      %dma_wait3A_158 = arith.constant 0 : i32
      %dma_wait3A_159 = arith.constant 0 : i32
      %dma_wait3A_160 = tpu.memref_slice %arg3[%add3A, %run_scoped3A, %dma_wait3A_158, %dma_wait3A_159] : memref<32x18x5x112xi32, #tpu.memory_space<hbm>> -> memref<1x1x5x112xi32, #tpu.memory_space<hbm>>
      %dma_wait3A_161 = tpu.memref_squeeze %dma_wait3A_160 : memref<1x1x5x112xi32, #tpu.memory_space<hbm>> -> memref<5x112xi32, #tpu.memory_space<hbm>>
      %dma_wait3A_162 = arith.constant 0 : i32
      %dma_wait3A_163 = arith.constant 0 : i32
      %dma_wait3A_164 = tpu.memref_slice %arg7[%run_scoped3A_3, %dma_wait3A_162, %dma_wait3A_163] : memref<2x5x112xi32, #tpu.memory_space<vmem>> -> memref<1x5x112xi32, #tpu.memory_space<vmem>>
      %dma_wait3A_165 = tpu.memref_squeeze %dma_wait3A_164 : memref<1x5x112xi32, #tpu.memory_space<vmem>> -> memref<5x112xi32, #tpu.memory_space<vmem>>
      %dma_wait3A_166 = arith.constant 0 : i32
      %dma_wait3A_167 = arith.constant 0 : i32
      %dma_wait3A_168 = tpu.memref_slice %arg3[%add3A, %run_scoped3A, %dma_wait3A_166, %dma_wait3A_167] : memref<32x18x5x112xi32, #tpu.memory_space<hbm>> -> memref<1x1x5x112xi32, #tpu.memory_space<hbm>>
      %dma_wait3A_169 = tpu.memref_squeeze %dma_wait3A_168 : memref<1x1x5x112xi32, #tpu.memory_space<hbm>> -> memref<5x112xi32, #tpu.memory_space<hbm>>
      tpu.wait_dma2 semaphore(%run_scoped3A_137 : memref<!tpu.dma_semaphore, #tpu.memory_space<semaphore_mem>>) src(%dma_wait3A_169 : memref<5x112xi32, #tpu.memory_space<hbm>>) dst(%dma_wait3A_165 : memref<5x112xi32, #tpu.memory_space<vmem>>)
      tpu.yield
    }) : () -> ()
    %run_scoped3A_4 = arith.constant 0 : i32
    %run_scoped3A_5 = arith.constant 0 : i32
    "tpu.region"() ({
      %run_scoped3A_137 = tpu.sem_alloc : memref<!tpu.dma_semaphore, #tpu.memory_space<semaphore_mem>>
      %dma_start3A_138 = arith.constant 0 : i32
      %dma_start3A_139 = arith.constant 0 : i32
      %dma_start3A_140 = tpu.memref_slice %arg8[%run_scoped3A_5, %dma_start3A_138, %dma_start3A_139] : memref<2x5x112xi32, #tpu.memory_space<vmem>> -> memref<1x5x112xi32, #tpu.memory_space<vmem>>
      %dma_start3A_141 = tpu.memref_squeeze %dma_start3A_140 : memref<1x5x112xi32, #tpu.memory_space<vmem>> -> memref<5x112xi32, #tpu.memory_space<vmem>>
      %dma_start3A_142 = arith.constant 0 : i32
      %dma_start3A_143 = arith.constant 0 : i32
      %dma_start3A_144 = tpu.memref_slice %arg4[%add3A, %run_scoped3A_4, %dma_start3A_142, %dma_start3A_143] : memref<32x18x5x112xi32, #tpu.memory_space<hbm>> -> memref<1x1x5x112xi32, #tpu.memory_space<hbm>>
      %dma_start3A_145 = tpu.memref_squeeze %dma_start3A_144 : memref<1x1x5x112xi32, #tpu.memory_space<hbm>> -> memref<5x112xi32, #tpu.memory_space<hbm>>
      %dma_start3A_146 = arith.constant 0 : i32
      %dma_start3A_147 = arith.constant 0 : i32
      %dma_start3A_148 = tpu.memref_slice %arg8[%run_scoped3A_5, %dma_start3A_146, %dma_start3A_147] : memref<2x5x112xi32, #tpu.memory_space<vmem>> -> memref<1x5x112xi32, #tpu.memory_space<vmem>>
      %dma_start3A_149 = tpu.memref_squeeze %dma_start3A_148 : memref<1x5x112xi32, #tpu.memory_space<vmem>> -> memref<5x112xi32, #tpu.memory_space<vmem>>
      %dma_start3A_150 = arith.constant 0 : i32
      %dma_start3A_151 = arith.constant 0 : i32
      %dma_start3A_152 = tpu.memref_slice %arg4[%add3A, %run_scoped3A_4, %dma_start3A_150, %dma_start3A_151] : memref<32x18x5x112xi32, #tpu.memory_space<hbm>> -> memref<1x1x5x112xi32, #tpu.memory_space<hbm>>
      %dma_start3A_153 = tpu.memref_squeeze %dma_start3A_152 : memref<1x1x5x112xi32, #tpu.memory_space<hbm>> -> memref<5x112xi32, #tpu.memory_space<hbm>>
      tpu.enqueue_dma source(%dma_start3A_153 : memref<5x112xi32, #tpu.memory_space<hbm>>) target(%dma_start3A_149 : memref<5x112xi32, #tpu.memory_space<vmem>>) target_semaphore(%run_scoped3A_137 : memref<!tpu.dma_semaphore, #tpu.memory_space<semaphore_mem>>)
      %dma_wait3A_154 = arith.constant 0 : i32
      %dma_wait3A_155 = arith.constant 0 : i32
      %dma_wait3A_156 = tpu.memref_slice %arg8[%run_scoped3A_5, %dma_wait3A_154, %dma_wait3A_155] : memref<2x5x112xi32, #tpu.memory_space<vmem>> -> memref<1x5x112xi32, #tpu.memory_space<vmem>>
      %dma_wait3A_157 = tpu.memref_squeeze %dma_wait3A_156 : memref<1x5x112xi32, #tpu.memory_space<vmem>> -> memref<5x112xi32, #tpu.memory_space<vmem>>
      %dma_wait3A_158 = arith.constant 0 : i32
      %dma_wait3A_159 = arith.constant 0 : i32
      %dma_wait3A_160 = tpu.memref_slice %arg4[%add3A, %run_scoped3A_4, %dma_wait3A_158, %dma_wait3A_159] : memref<32x18x5x112xi32, #tpu.memory_space<hbm>> -> memref<1x1x5x112xi32, #tpu.memory_space<hbm>>
      %dma_wait3A_161 = tpu.memref_squeeze %dma_wait3A_160 : memref<1x1x5x112xi32, #tpu.memory_space<hbm>> -> memref<5x112xi32, #tpu.memory_space<hbm>>
      %dma_wait3A_162 = arith.constant 0 : i32
      %dma_wait3A_163 = arith.constant 0 : i32
      %dma_wait3A_164 = tpu.memref_slice %arg8[%run_scoped3A_5, %dma_wait3A_162, %dma_wait3A_163] : memref<2x5x112xi32, #tpu.memory_space<vmem>> -> memref<1x5x112xi32, #tpu.memory_space<vmem>>
      %dma_wait3A_165 = tpu.memref_squeeze %dma_wait3A_164 : memref<1x5x112xi32, #tpu.memory_space<vmem>> -> memref<5x112xi32, #tpu.memory_space<vmem>>
      %dma_wait3A_166 = arith.constant 0 : i32
      %dma_wait3A_167 = arith.constant 0 : i32
      %dma_wait3A_168 = tpu.memref_slice %arg4[%add3A, %run_scoped3A_4, %dma_wait3A_166, %dma_wait3A_167] : memref<32x18x5x112xi32, #tpu.memory_space<hbm>> -> memref<1x1x5x112xi32, #tpu.memory_space<hbm>>
      %dma_wait3A_169 = tpu.memref_squeeze %dma_wait3A_168 : memref<1x1x5x112xi32, #tpu.memory_space<hbm>> -> memref<5x112xi32, #tpu.memory_space<hbm>>
      tpu.wait_dma2 semaphore(%run_scoped3A_137 : memref<!tpu.dma_semaphore, #tpu.memory_space<semaphore_mem>>) src(%dma_wait3A_169 : memref<5x112xi32, #tpu.memory_space<hbm>>) dst(%dma_wait3A_165 : memref<5x112xi32, #tpu.memory_space<vmem>>)
      tpu.yield
    }) : () -> ()
    %dma_start3A = arith.constant 1 : i32
    %dma_start3A_6 = arith.constant 1 : i32
    %dma_start3A_7 = arith.constant 1 : i32
    %dma_start3A_8 = arith.constant 0 : i32
    %dma_start3A_9 = arith.constant 0 : i32
    %dma_start3A_10 = tpu.memref_slice %arg7[%dma_start3A_6, %dma_start3A_8, %dma_start3A_9] : memref<2x5x112xi32, #tpu.memory_space<vmem>> -> memref<1x5x112xi32, #tpu.memory_space<vmem>>
    %dma_start3A_11 = tpu.memref_squeeze %dma_start3A_10 : memref<1x5x112xi32, #tpu.memory_space<vmem>> -> memref<5x112xi32, #tpu.memory_space<vmem>>
    %dma_start3A_12 = arith.constant 0 : i32
    %dma_start3A_13 = arith.constant 0 : i32
    %dma_start3A_14 = tpu.memref_slice %arg3[%add3A, %dma_start3A, %dma_start3A_12, %dma_start3A_13] : memref<32x18x5x112xi32, #tpu.memory_space<hbm>> -> memref<1x1x5x112xi32, #tpu.memory_space<hbm>>
    %dma_start3A_15 = tpu.memref_squeeze %dma_start3A_14 : memref<1x1x5x112xi32, #tpu.memory_space<hbm>> -> memref<5x112xi32, #tpu.memory_space<hbm>>
    %dma_start3A_16 = tpu.memref_slice %arg10[%dma_start3A_7] : memref<2x!tpu.dma_semaphore, #tpu.memory_space<semaphore_mem>> -> memref<1x!tpu.dma_semaphore, #tpu.memory_space<semaphore_mem>>
    %dma_start3A_17 = tpu.memref_squeeze %dma_start3A_16 : memref<1x!tpu.dma_semaphore, #tpu.memory_space<semaphore_mem>> -> memref<!tpu.dma_semaphore, #tpu.memory_space<semaphore_mem>>
    %dma_start3A_18 = arith.constant 0 : i32
    %dma_start3A_19 = arith.constant 0 : i32
    %dma_start3A_20 = tpu.memref_slice %arg7[%dma_start3A_6, %dma_start3A_18, %dma_start3A_19] : memref<2x5x112xi32, #tpu.memory_space<vmem>> -> memref<1x5x112xi32, #tpu.memory_space<vmem>>
    %dma_start3A_21 = tpu.memref_squeeze %dma_start3A_20 : memref<1x5x112xi32, #tpu.memory_space<vmem>> -> memref<5x112xi32, #tpu.memory_space<vmem>>
    %dma_start3A_22 = arith.constant 0 : i32
    %dma_start3A_23 = arith.constant 0 : i32
    %dma_start3A_24 = tpu.memref_slice %arg3[%add3A, %dma_start3A, %dma_start3A_22, %dma_start3A_23] : memref<32x18x5x112xi32, #tpu.memory_space<hbm>> -> memref<1x1x5x112xi32, #tpu.memory_space<hbm>>
    %dma_start3A_25 = tpu.memref_squeeze %dma_start3A_24 : memref<1x1x5x112xi32, #tpu.memory_space<hbm>> -> memref<5x112xi32, #tpu.memory_space<hbm>>
    tpu.enqueue_dma source(%dma_start3A_25 : memref<5x112xi32, #tpu.memory_space<hbm>>) target(%dma_start3A_21 : memref<5x112xi32, #tpu.memory_space<vmem>>) target_semaphore(%dma_start3A_17 : memref<!tpu.dma_semaphore, #tpu.memory_space<semaphore_mem>>)
    %dma_start3A_26 = arith.constant 1 : i32
    %dma_start3A_27 = arith.constant 1 : i32
    %dma_start3A_28 = arith.constant 1 : i32
    %dma_start3A_29 = arith.constant 0 : i32
    %dma_start3A_30 = arith.constant 0 : i32
    %dma_start3A_31 = tpu.memref_slice %arg8[%dma_start3A_27, %dma_start3A_29, %dma_start3A_30] : memref<2x5x112xi32, #tpu.memory_space<vmem>> -> memref<1x5x112xi32, #tpu.memory_space<vmem>>
    %dma_start3A_32 = tpu.memref_squeeze %dma_start3A_31 : memref<1x5x112xi32, #tpu.memory_space<vmem>> -> memref<5x112xi32, #tpu.memory_space<vmem>>
    %dma_start3A_33 = arith.constant 0 : i32
    %dma_start3A_34 = arith.constant 0 : i32
    %dma_start3A_35 = tpu.memref_slice %arg4[%add3A, %dma_start3A_26, %dma_start3A_33, %dma_start3A_34] : memref<32x18x5x112xi32, #tpu.memory_space<hbm>> -> memref<1x1x5x112xi32, #tpu.memory_space<hbm>>
    %dma_start3A_36 = tpu.memref_squeeze %dma_start3A_35 : memref<1x1x5x112xi32, #tpu.memory_space<hbm>> -> memref<5x112xi32, #tpu.memory_space<hbm>>
    %dma_start3A_37 = tpu.memref_slice %arg10[%dma_start3A_28] : memref<2x!tpu.dma_semaphore, #tpu.memory_space<semaphore_mem>> -> memref<1x!tpu.dma_semaphore, #tpu.memory_space<semaphore_mem>>
    %dma_start3A_38 = tpu.memref_squeeze %dma_start3A_37 : memref<1x!tpu.dma_semaphore, #tpu.memory_space<semaphore_mem>> -> memref<!tpu.dma_semaphore, #tpu.memory_space<semaphore_mem>>
    %dma_start3A_39 = arith.constant 0 : i32
    %dma_start3A_40 = arith.constant 0 : i32
    %dma_start3A_41 = tpu.memref_slice %arg8[%dma_start3A_27, %dma_start3A_39, %dma_start3A_40] : memref<2x5x112xi32, #tpu.memory_space<vmem>> -> memref<1x5x112xi32, #tpu.memory_space<vmem>>
    %dma_start3A_42 = tpu.memref_squeeze %dma_start3A_41 : memref<1x5x112xi32, #tpu.memory_space<vmem>> -> memref<5x112xi32, #tpu.memory_space<vmem>>
    %dma_start3A_43 = arith.constant 0 : i32
    %dma_start3A_44 = arith.constant 0 : i32
    %dma_start3A_45 = tpu.memref_slice %arg4[%add3A, %dma_start3A_26, %dma_start3A_43, %dma_start3A_44] : memref<32x18x5x112xi32, #tpu.memory_space<hbm>> -> memref<1x1x5x112xi32, #tpu.memory_space<hbm>>
    %dma_start3A_46 = tpu.memref_squeeze %dma_start3A_45 : memref<1x1x5x112xi32, #tpu.memory_space<hbm>> -> memref<5x112xi32, #tpu.memory_space<hbm>>
    tpu.enqueue_dma source(%dma_start3A_46 : memref<5x112xi32, #tpu.memory_space<hbm>>) target(%dma_start3A_42 : memref<5x112xi32, #tpu.memory_space<vmem>>) target_semaphore(%dma_start3A_38 : memref<!tpu.dma_semaphore, #tpu.memory_space<semaphore_mem>>)
    %barrier3A = arith.constant 0 : index
    tpu.barrier barrier_id(%barrier3A)
    %dma_start3A_47 = arith.constant 0 : i32
    %dma_start3A_48 = arith.constant 0 : i32
    %dma_start3A_49 = arith.constant 0 : i32
    %dma_start3A_50 = arith.constant 0 : i32
    %dma_start3A_51 = arith.constant 0 : i32
    %dma_start3A_52 = arith.constant 0 : i32
    %dma_start3A_53 = tpu.memref_slice %arg9[%dma_start3A_49, %dma_start3A_51, %dma_start3A_52] : memref<3x112x128xf32, #tpu.memory_space<vmem>> -> memref<1x112x128xf32, #tpu.memory_space<vmem>>
    %dma_start3A_54 = tpu.memref_squeeze %dma_start3A_53 : memref<1x112x128xf32, #tpu.memory_space<vmem>> -> memref<112x128xf32, #tpu.memory_space<vmem>>
    %dma_start3A_55 = arith.constant 0 : i32
    %dma_start3A_56 = tpu.memref_slice %arg7[%dma_start3A_47, %dma_start3A_48, %dma_start3A_55] : memref<2x5x112xi32, #tpu.memory_space<vmem>> -> memref<1x1x112xi32, #tpu.memory_space<vmem>>
    %dma_start3A_57 = tpu.memref_squeeze %dma_start3A_56 : memref<1x1x112xi32, #tpu.memory_space<vmem>> -> memref<112xi32, #tpu.memory_space<vmem>>
    %dma_start3A_58 = arith.constant 0 : i32
    %dma_start3A_59 = arith.constant 0 : i32
    %dma_start3A_60 = tpu.memref_slice %arg2[%dma_start3A_58, %dma_start3A_59] : memref<10000x128xf32, #tpu.memory_space<hbm>> -> memref<10000x128xf32, #tpu.memory_space<hbm>>
    %dma_start3A_61 = tpu.memref_slice %arg11[%dma_start3A_50] : memref<3x!tpu.dma_semaphore, #tpu.memory_space<semaphore_mem>> -> memref<1x!tpu.dma_semaphore, #tpu.memory_space<semaphore_mem>>
    %dma_start3A_62 = tpu.memref_squeeze %dma_start3A_61 : memref<1x!tpu.dma_semaphore, #tpu.memory_space<semaphore_mem>> -> memref<!tpu.dma_semaphore, #tpu.memory_space<semaphore_mem>>
    tpu.enqueue_indirect_dma source(%dma_start3A_60 : memref<10000x128xf32, #tpu.memory_space<hbm>>) target(%dma_start3A_54 : memref<112x128xf32, #tpu.memory_space<vmem>>) offsets(%dma_start3A_57 : memref<112xi32, #tpu.memory_space<vmem>>) semaphore(%dma_start3A_62 : memref<!tpu.dma_semaphore, #tpu.memory_space<semaphore_mem>>)
    %dma_start3A_63 = arith.constant 0 : i32
    %dma_start3A_64 = arith.constant 1 : i32
    %dma_start3A_65 = arith.constant 1 : i32
    %dma_start3A_66 = arith.constant 1 : i32
    %dma_start3A_67 = arith.constant 0 : i32
    %dma_start3A_68 = arith.constant 0 : i32
    %dma_start3A_69 = tpu.memref_slice %arg9[%dma_start3A_65, %dma_start3A_67, %dma_start3A_68] : memref<3x112x128xf32, #tpu.memory_space<vmem>> -> memref<1x112x128xf32, #tpu.memory_space<vmem>>
    %dma_start3A_70 = tpu.memref_squeeze %dma_start3A_69 : memref<1x112x128xf32, #tpu.memory_space<vmem>> -> memref<112x128xf32, #tpu.memory_space<vmem>>
    %dma_start3A_71 = arith.constant 0 : i32
    %dma_start3A_72 = tpu.memref_slice %arg7[%dma_start3A_63, %dma_start3A_64, %dma_start3A_71] : memref<2x5x112xi32, #tpu.memory_space<vmem>> -> memref<1x1x112xi32, #tpu.memory_space<vmem>>
    %dma_start3A_73 = tpu.memref_squeeze %dma_start3A_72 : memref<1x1x112xi32, #tpu.memory_space<vmem>> -> memref<112xi32, #tpu.memory_space<vmem>>
    %dma_start3A_74 = arith.constant 0 : i32
    %dma_start3A_75 = arith.constant 0 : i32
    %dma_start3A_76 = tpu.memref_slice %arg2[%dma_start3A_74, %dma_start3A_75] : memref<10000x128xf32, #tpu.memory_space<hbm>> -> memref<10000x128xf32, #tpu.memory_space<hbm>>
    %dma_start3A_77 = tpu.memref_slice %arg11[%dma_start3A_66] : memref<3x!tpu.dma_semaphore, #tpu.memory_space<semaphore_mem>> -> memref<1x!tpu.dma_semaphore, #tpu.memory_space<semaphore_mem>>
    %dma_start3A_78 = tpu.memref_squeeze %dma_start3A_77 : memref<1x!tpu.dma_semaphore, #tpu.memory_space<semaphore_mem>> -> memref<!tpu.dma_semaphore, #tpu.memory_space<semaphore_mem>>
    tpu.enqueue_indirect_dma source(%dma_start3A_76 : memref<10000x128xf32, #tpu.memory_space<hbm>>) target(%dma_start3A_70 : memref<112x128xf32, #tpu.memory_space<vmem>>) offsets(%dma_start3A_73 : memref<112xi32, #tpu.memory_space<vmem>>) semaphore(%dma_start3A_78 : memref<!tpu.dma_semaphore, #tpu.memory_space<semaphore_mem>>)
    %scan3A = arith.constant 0 : i32
    %scan3A_79 = arith.constant 0 : i32
    %scan3A_80 = arith.constant 90 : i32
    %scan3A_81 = arith.addi %scan3A_79, %scan3A_80 : i32
    %scan3A_82 = arith.constant 1 : i32
    %scan3A_83 = scf.for %scan3A_137 = %scan3A_79 to %scan3A_81 step %scan3A_82 iter_args(%scan3A_138 = %scan3A) -> (i32)  : i32 {
      %jit3A = arith.constant 5 : i32
      %div3A = arith.divsi %scan3A_137, %jit3A : i32
      %sign3A = arith.constant 0 : i32
      %sign3A_139 = arith.cmpi sgt, %scan3A_137, %sign3A : i32
      %sign3A_140 = arith.extui %sign3A_139 : i1 to i32
      %sign3A_141 = arith.constant 0 : i32
      %sign3A_142 = arith.cmpi slt, %scan3A_137, %sign3A_141 : i32
      %sign3A_143 = arith.extui %sign3A_142 : i1 to i32
      %sign3A_144 = arith.subi %sign3A_140, %sign3A_143 : i32
      %sign3A_145 = arith.constant 0 : i32
      %sign3A_146 = arith.cmpi sgt, %jit3A, %sign3A_145 : i32
      %sign3A_147 = arith.extui %sign3A_146 : i1 to i32
      %sign3A_148 = arith.constant 0 : i32
      %sign3A_149 = arith.cmpi slt, %jit3A, %sign3A_148 : i32
      %sign3A_150 = arith.extui %sign3A_149 : i1 to i32
      %sign3A_151 = arith.subi %sign3A_147, %sign3A_150 : i32
      %ne3A = arith.cmpi ne, %sign3A_144, %sign3A_151 : i32
      %rem3A = arith.remsi %scan3A_137, %jit3A : i32
      %ne3A_152 = arith.constant 0 : i32
      %ne3A_153 = arith.cmpi ne, %rem3A, %ne3A_152 : i32
      %and3A = arith.andi %ne3A, %ne3A_153 : i1
      %sub3A = arith.constant 1 : i32
      %sub3A_154 = arith.subi %div3A, %sub3A : i32
      %select_n3A = arith.select %and3A, %sub3A_154, %div3A : i32
      %rem3A_155 = arith.constant 5 : i32
      %rem3A_156 = arith.remsi %scan3A_137, %rem3A_155 : i32
      %rem3A_157 = arith.constant 2 : i32
      %rem3A_158 = arith.remsi %select_n3A, %rem3A_157 : i32
      %rem3A_159 = arith.constant 3 : i32
      %rem3A_160 = arith.remsi %scan3A_137, %rem3A_159 : i32
      %dma_wait3A_161 = arith.constant 0 : i32
      %dma_wait3A_162 = arith.constant 0 : i32
      %dma_wait3A_163 = tpu.memref_slice %arg9[%rem3A_160, %dma_wait3A_161, %dma_wait3A_162] : memref<3x112x128xf32, #tpu.memory_space<vmem>> -> memref<1x112x128xf32, #tpu.memory_space<vmem>>
      %dma_wait3A_164 = tpu.memref_squeeze %dma_wait3A_163 : memref<1x112x128xf32, #tpu.memory_space<vmem>> -> memref<112x128xf32, #tpu.memory_space<vmem>>
      %dma_wait3A_165 = arith.constant 0 : i32
      %dma_wait3A_166 = tpu.memref_slice %arg7[%rem3A_158, %rem3A_156, %dma_wait3A_165] : memref<2x5x112xi32, #tpu.memory_space<vmem>> -> memref<1x1x112xi32, #tpu.memory_space<vmem>>
      %dma_wait3A_167 = tpu.memref_squeeze %dma_wait3A_166 : memref<1x1x112xi32, #tpu.memory_space<vmem>> -> memref<112xi32, #tpu.memory_space<vmem>>
      %dma_wait3A_168 = arith.constant 0 : i32
      %dma_wait3A_169 = arith.constant 0 : i32
      %dma_wait3A_170 = tpu.memref_slice %arg2[%dma_wait3A_168, %dma_wait3A_169] : memref<10000x128xf32, #tpu.memory_space<hbm>> -> memref<10000x128xf32, #tpu.memory_space<hbm>>
      %dma_wait3A_171 = tpu.memref_slice %arg11[%rem3A_160] : memref<3x!tpu.dma_semaphore, #tpu.memory_space<semaphore_mem>> -> memref<1x!tpu.dma_semaphore, #tpu.memory_space<semaphore_mem>>
      %dma_wait3A_172 = tpu.memref_squeeze %dma_wait3A_171 : memref<1x!tpu.dma_semaphore, #tpu.memory_space<semaphore_mem>> -> memref<!tpu.dma_semaphore, #tpu.memory_space<semaphore_mem>>
      tpu.wait_indirect_dma semaphore(%dma_wait3A_172 : memref<!tpu.dma_semaphore, #tpu.memory_space<semaphore_mem>>) src(%dma_wait3A_170 : memref<10000x128xf32, #tpu.memory_space<hbm>>) dst(%dma_wait3A_164 : memref<112x128xf32, #tpu.memory_space<vmem>>)
      %dma_start3A_173 = arith.constant 0 : i32
      %dma_start3A_174 = arith.constant 0 : i32
      %dma_start3A_175 = tpu.memref_slice %arg9[%rem3A_160, %dma_start3A_173, %dma_start3A_174] : memref<3x112x128xf32, #tpu.memory_space<vmem>> -> memref<1x112x128xf32, #tpu.memory_space<vmem>>
      %dma_start3A_176 = tpu.memref_squeeze %dma_start3A_175 : memref<1x112x128xf32, #tpu.memory_space<vmem>> -> memref<112x128xf32, #tpu.memory_space<vmem>>
      %dma_start3A_177 = arith.constant 0 : i32
      %dma_start3A_178 = tpu.memref_slice %arg8[%rem3A_158, %rem3A_156, %dma_start3A_177] : memref<2x5x112xi32, #tpu.memory_space<vmem>> -> memref<1x1x112xi32, #tpu.memory_space<vmem>>
      %dma_start3A_179 = tpu.memref_squeeze %dma_start3A_178 : memref<1x1x112xi32, #tpu.memory_space<vmem>> -> memref<112xi32, #tpu.memory_space<vmem>>
      %dma_start3A_180 = arith.constant 0 : i32
      %dma_start3A_181 = arith.constant 0 : i32
      %dma_start3A_182 = tpu.memref_slice %arg13[%dma_start3A_180, %dma_start3A_181] : memref<10240x128xf32, #tpu.memory_space<vmem_shared>> -> memref<10240x128xf32, #tpu.memory_space<vmem_shared>>
      %dma_start3A_183 = tpu.memref_slice %arg12[%rem3A_160] : memref<3x!tpu.dma_semaphore, #tpu.memory_space<semaphore_mem>> -> memref<1x!tpu.dma_semaphore, #tpu.memory_space<semaphore_mem>>
      %dma_start3A_184 = tpu.memref_squeeze %dma_start3A_183 : memref<1x!tpu.dma_semaphore, #tpu.memory_space<semaphore_mem>> -> memref<!tpu.dma_semaphore, #tpu.memory_space<semaphore_mem>>
      tpu.enqueue_indirect_dma source(%dma_start3A_176 : memref<112x128xf32, #tpu.memory_space<vmem>>) target(%dma_start3A_182 : memref<10240x128xf32, #tpu.memory_space<vmem_shared>>) offsets(%dma_start3A_179 : memref<112xi32, #tpu.memory_space<vmem>>) semaphore(%dma_start3A_184 : memref<!tpu.dma_semaphore, #tpu.memory_space<semaphore_mem>>) {add = true}
      %eq3A = arith.constant 3 : i32
      %eq3A_185 = arith.cmpi eq, %rem3A_156, %eq3A : i32
      %add3A_186 = arith.constant 1 : i32
      %add3A_187 = arith.addi %select_n3A, %add3A_186 : i32
      %lt3A = arith.constant 18 : i32
      %lt3A_188 = arith.cmpi slt, %add3A_187, %lt3A : i32
      %and3A_189 = arith.andi %eq3A_185, %lt3A_188 : i1
      %convert_element_type3A = arith.extui %and3A_189 : i1 to i32
      %cond3A = arith.constant 0 : i32
      %cond3A_190 = arith.cmpi ne, %convert_element_type3A, %cond3A : i32
      scf.if %cond3A_190 {
        %add3A_219 = arith.constant 1 : i32
        %add3A_220 = arith.addi %select_n3A, %add3A_219 : i32
        %rem3A_221 = arith.constant 2 : i32
        %rem3A_222 = arith.remsi %add3A_220, %rem3A_221 : i32
        %add3A_223 = arith.constant 1 : i32
        %add3A_224 = arith.addi %select_n3A, %add3A_223 : i32
        %dma_wait3A_225 = arith.constant 0 : i32
        %dma_wait3A_226 = arith.constant 0 : i32
        %dma_wait3A_227 = tpu.memref_slice %arg7[%rem3A_222, %dma_wait3A_225, %dma_wait3A_226] : memref<2x5x112xi32, #tpu.memory_space<vmem>> -> memref<1x5x112xi32, #tpu.memory_space<vmem>>
        %dma_wait3A_228 = tpu.memref_squeeze %dma_wait3A_227 : memref<1x5x112xi32, #tpu.memory_space<vmem>> -> memref<5x112xi32, #tpu.memory_space<vmem>>
        %dma_wait3A_229 = arith.constant 0 : i32
        %dma_wait3A_230 = arith.constant 0 : i32
        %dma_wait3A_231 = tpu.memref_slice %arg3[%add3A, %add3A_224, %dma_wait3A_229, %dma_wait3A_230] : memref<32x18x5x112xi32, #tpu.memory_space<hbm>> -> memref<1x1x5x112xi32, #tpu.memory_space<hbm>>
        %dma_wait3A_232 = tpu.memref_squeeze %dma_wait3A_231 : memref<1x1x5x112xi32, #tpu.memory_space<hbm>> -> memref<5x112xi32, #tpu.memory_space<hbm>>
        %dma_wait3A_233 = tpu.memref_slice %arg10[%rem3A_222] : memref<2x!tpu.dma_semaphore, #tpu.memory_space<semaphore_mem>> -> memref<1x!tpu.dma_semaphore, #tpu.memory_space<semaphore_mem>>
        %dma_wait3A_234 = tpu.memref_squeeze %dma_wait3A_233 : memref<1x!tpu.dma_semaphore, #tpu.memory_space<semaphore_mem>> -> memref<!tpu.dma_semaphore, #tpu.memory_space<semaphore_mem>>
        %dma_wait3A_235 = arith.constant 0 : i32
        %dma_wait3A_236 = arith.constant 0 : i32
        %dma_wait3A_237 = tpu.memref_slice %arg7[%rem3A_222, %dma_wait3A_235, %dma_wait3A_236] : memref<2x5x112xi32, #tpu.memory_space<vmem>> -> memref<1x5x112xi32, #tpu.memory_space<vmem>>
        %dma_wait3A_238 = tpu.memref_squeeze %dma_wait3A_237 : memref<1x5x112xi32, #tpu.memory_space<vmem>> -> memref<5x112xi32, #tpu.memory_space<vmem>>
        %dma_wait3A_239 = arith.constant 0 : i32
        %dma_wait3A_240 = arith.constant 0 : i32
        %dma_wait3A_241 = tpu.memref_slice %arg3[%add3A, %add3A_224, %dma_wait3A_239, %dma_wait3A_240] : memref<32x18x5x112xi32, #tpu.memory_space<hbm>> -> memref<1x1x5x112xi32, #tpu.memory_space<hbm>>
        %dma_wait3A_242 = tpu.memref_squeeze %dma_wait3A_241 : memref<1x1x5x112xi32, #tpu.memory_space<hbm>> -> memref<5x112xi32, #tpu.memory_space<hbm>>
        tpu.wait_dma2 semaphore(%dma_wait3A_234 : memref<!tpu.dma_semaphore, #tpu.memory_space<semaphore_mem>>) src(%dma_wait3A_242 : memref<5x112xi32, #tpu.memory_space<hbm>>) dst(%dma_wait3A_238 : memref<5x112xi32, #tpu.memory_space<vmem>>)
        %add3A_243 = arith.constant 1 : i32
        %add3A_244 = arith.addi %select_n3A, %add3A_243 : i32
        %dma_wait3A_245 = arith.constant 0 : i32
        %dma_wait3A_246 = arith.constant 0 : i32
        %dma_wait3A_247 = tpu.memref_slice %arg8[%rem3A_222, %dma_wait3A_245, %dma_wait3A_246] : memref<2x5x112xi32, #tpu.memory_space<vmem>> -> memref<1x5x112xi32, #tpu.memory_space<vmem>>
        %dma_wait3A_248 = tpu.memref_squeeze %dma_wait3A_247 : memref<1x5x112xi32, #tpu.memory_space<vmem>> -> memref<5x112xi32, #tpu.memory_space<vmem>>
        %dma_wait3A_249 = arith.constant 0 : i32
        %dma_wait3A_250 = arith.constant 0 : i32
        %dma_wait3A_251 = tpu.memref_slice %arg4[%add3A, %add3A_244, %dma_wait3A_249, %dma_wait3A_250] : memref<32x18x5x112xi32, #tpu.memory_space<hbm>> -> memref<1x1x5x112xi32, #tpu.memory_space<hbm>>
        %dma_wait3A_252 = tpu.memref_squeeze %dma_wait3A_251 : memref<1x1x5x112xi32, #tpu.memory_space<hbm>> -> memref<5x112xi32, #tpu.memory_space<hbm>>
        %dma_wait3A_253 = tpu.memref_slice %arg10[%rem3A_222] : memref<2x!tpu.dma_semaphore, #tpu.memory_space<semaphore_mem>> -> memref<1x!tpu.dma_semaphore, #tpu.memory_space<semaphore_mem>>
        %dma_wait3A_254 = tpu.memref_squeeze %dma_wait3A_253 : memref<1x!tpu.dma_semaphore, #tpu.memory_space<semaphore_mem>> -> memref<!tpu.dma_semaphore, #tpu.memory_space<semaphore_mem>>
        %dma_wait3A_255 = arith.constant 0 : i32
        %dma_wait3A_256 = arith.constant 0 : i32
        %dma_wait3A_257 = tpu.memref_slice %arg8[%rem3A_222, %dma_wait3A_255, %dma_wait3A_256] : memref<2x5x112xi32, #tpu.memory_space<vmem>> -> memref<1x5x112xi32, #tpu.memory_space<vmem>>
        %dma_wait3A_258 = tpu.memref_squeeze %dma_wait3A_257 : memref<1x5x112xi32, #tpu.memory_space<vmem>> -> memref<5x112xi32, #tpu.memory_space<vmem>>
        %dma_wait3A_259 = arith.constant 0 : i32
        %dma_wait3A_260 = arith.constant 0 : i32
        %dma_wait3A_261 = tpu.memref_slice %arg4[%add3A, %add3A_244, %dma_wait3A_259, %dma_wait3A_260] : memref<32x18x5x112xi32, #tpu.memory_space<hbm>> -> memref<1x1x5x112xi32, #tpu.memory_space<hbm>>
        %dma_wait3A_262 = tpu.memref_squeeze %dma_wait3A_261 : memref<1x1x5x112xi32, #tpu.memory_space<hbm>> -> memref<5x112xi32, #tpu.memory_space<hbm>>
        tpu.wait_dma2 semaphore(%dma_wait3A_254 : memref<!tpu.dma_semaphore, #tpu.memory_space<semaphore_mem>>) src(%dma_wait3A_262 : memref<5x112xi32, #tpu.memory_space<hbm>>) dst(%dma_wait3A_258 : memref<5x112xi32, #tpu.memory_space<vmem>>)
      } else {
      }
      %ge3A = arith.constant 1 : i32
      %ge3A_191 = arith.cmpi sge, %scan3A_137, %ge3A : i32
      %add3A_192 = arith.constant 2 : i32
      %add3A_193 = arith.addi %scan3A_137, %add3A_192 : i32
      %lt3A_194 = arith.constant 90 : i32
      %lt3A_195 = arith.cmpi slt, %add3A_193, %lt3A_194 : i32
      %and3A_196 = arith.andi %ge3A_191, %lt3A_195 : i1
      %convert_element_type3A_197 = arith.extui %and3A_196 : i1 to i32
      %cond3A_198 = arith.constant 0 : i32
      %cond3A_199 = arith.cmpi ne, %convert_element_type3A_197, %cond3A_198 : i32
      scf.if %cond3A_199 {
        %sub3A_219 = arith.constant 1 : i32
        %sub3A_220 = arith.subi %scan3A_137, %sub3A_219 : i32
        %add3A_221 = arith.constant 2 : i32
        %add3A_222 = arith.addi %scan3A_137, %add3A_221 : i32
        %rem3A_223 = arith.constant 3 : i32
        %rem3A_224 = arith.remsi %add3A_222, %rem3A_223 : i32
        %jit3A_225 = arith.constant 5 : i32
        %div3A_226 = arith.divsi %sub3A_220, %jit3A_225 : i32
        %sign3A_227 = arith.constant 0 : i32
        %sign3A_228 = arith.cmpi sgt, %sub3A_220, %sign3A_227 : i32
        %sign3A_229 = arith.extui %sign3A_228 : i1 to i32
        %sign3A_230 = arith.constant 0 : i32
        %sign3A_231 = arith.cmpi slt, %sub3A_220, %sign3A_230 : i32
        %sign3A_232 = arith.extui %sign3A_231 : i1 to i32
        %sign3A_233 = arith.subi %sign3A_229, %sign3A_232 : i32
        %sign3A_234 = arith.constant 0 : i32
        %sign3A_235 = arith.cmpi sgt, %jit3A_225, %sign3A_234 : i32
        %sign3A_236 = arith.extui %sign3A_235 : i1 to i32
        %sign3A_237 = arith.constant 0 : i32
        %sign3A_238 = arith.cmpi slt, %jit3A_225, %sign3A_237 : i32
        %sign3A_239 = arith.extui %sign3A_238 : i1 to i32
        %sign3A_240 = arith.subi %sign3A_236, %sign3A_239 : i32
        %ne3A_241 = arith.cmpi ne, %sign3A_233, %sign3A_240 : i32
        %rem3A_242 = arith.remsi %sub3A_220, %jit3A_225 : i32
        %ne3A_243 = arith.constant 0 : i32
        %ne3A_244 = arith.cmpi ne, %rem3A_242, %ne3A_243 : i32
        %and3A_245 = arith.andi %ne3A_241, %ne3A_244 : i1
        %sub3A_246 = arith.constant 1 : i32
        %sub3A_247 = arith.subi %div3A_226, %sub3A_246 : i32
        %select_n3A_248 = arith.select %and3A_245, %sub3A_247, %div3A_226 : i32
        %rem3A_249 = arith.constant 2 : i32
        %rem3A_250 = arith.remsi %select_n3A_248, %rem3A_249 : i32
        %rem3A_251 = arith.constant 5 : i32
        %rem3A_252 = arith.remsi %sub3A_220, %rem3A_251 : i32
        %dma_wait3A_253 = arith.constant 0 : i32
        %dma_wait3A_254 = arith.constant 0 : i32
        %dma_wait3A_255 = tpu.memref_slice %arg9[%rem3A_224, %dma_wait3A_253, %dma_wait3A_254] : memref<3x112x128xf32, #tpu.memory_space<vmem>> -> memref<1x112x128xf32, #tpu.memory_space<vmem>>
        %dma_wait3A_256 = tpu.memref_squeeze %dma_wait3A_255 : memref<1x112x128xf32, #tpu.memory_space<vmem>> -> memref<112x128xf32, #tpu.memory_space<vmem>>
        %dma_wait3A_257 = arith.constant 0 : i32
        %dma_wait3A_258 = tpu.memref_slice %arg8[%rem3A_250, %rem3A_252, %dma_wait3A_257] : memref<2x5x112xi32, #tpu.memory_space<vmem>> -> memref<1x1x112xi32, #tpu.memory_space<vmem>>
        %dma_wait3A_259 = tpu.memref_squeeze %dma_wait3A_258 : memref<1x1x112xi32, #tpu.memory_space<vmem>> -> memref<112xi32, #tpu.memory_space<vmem>>
        %dma_wait3A_260 = arith.constant 0 : i32
        %dma_wait3A_261 = arith.constant 0 : i32
        %dma_wait3A_262 = tpu.memref_slice %arg13[%dma_wait3A_260, %dma_wait3A_261] : memref<10240x128xf32, #tpu.memory_space<vmem_shared>> -> memref<10240x128xf32, #tpu.memory_space<vmem_shared>>
        %dma_wait3A_263 = tpu.memref_slice %arg12[%rem3A_224] : memref<3x!tpu.dma_semaphore, #tpu.memory_space<semaphore_mem>> -> memref<1x!tpu.dma_semaphore, #tpu.memory_space<semaphore_mem>>
        %dma_wait3A_264 = tpu.memref_squeeze %dma_wait3A_263 : memref<1x!tpu.dma_semaphore, #tpu.memory_space<semaphore_mem>> -> memref<!tpu.dma_semaphore, #tpu.memory_space<semaphore_mem>>
        tpu.wait_indirect_dma semaphore(%dma_wait3A_264 : memref<!tpu.dma_semaphore, #tpu.memory_space<semaphore_mem>>) src(%dma_wait3A_256 : memref<112x128xf32, #tpu.memory_space<vmem>>) dst(%dma_wait3A_262 : memref<10240x128xf32, #tpu.memory_space<vmem_shared>>)
        %add3A_265 = arith.constant 2 : i32
        %add3A_266 = arith.addi %scan3A_137, %add3A_265 : i32
        %jit3A_267 = arith.constant 5 : i32
        %div3A_268 = arith.divsi %add3A_266, %jit3A_267 : i32
        %sign3A_269 = arith.constant 0 : i32
        %sign3A_270 = arith.cmpi sgt, %add3A_266, %sign3A_269 : i32
        %sign3A_271 = arith.extui %sign3A_270 : i1 to i32
        %sign3A_272 = arith.constant 0 : i32
        %sign3A_273 = arith.cmpi slt, %add3A_266, %sign3A_272 : i32
        %sign3A_274 = arith.extui %sign3A_273 : i1 to i32
        %sign3A_275 = arith.subi %sign3A_271, %sign3A_274 : i32
        %sign3A_276 = arith.constant 0 : i32
        %sign3A_277 = arith.cmpi sgt, %jit3A_267, %sign3A_276 : i32
        %sign3A_278 = arith.extui %sign3A_277 : i1 to i32
        %sign3A_279 = arith.constant 0 : i32
        %sign3A_280 = arith.cmpi slt, %jit3A_267, %sign3A_279 : i32
        %sign3A_281 = arith.extui %sign3A_280 : i1 to i32
        %sign3A_282 = arith.subi %sign3A_278, %sign3A_281 : i32
        %ne3A_283 = arith.cmpi ne, %sign3A_275, %sign3A_282 : i32
        %rem3A_284 = arith.remsi %add3A_266, %jit3A_267 : i32
        %ne3A_285 = arith.constant 0 : i32
        %ne3A_286 = arith.cmpi ne, %rem3A_284, %ne3A_285 : i32
        %and3A_287 = arith.andi %ne3A_283, %ne3A_286 : i1
        %sub3A_288 = arith.constant 1 : i32
        %sub3A_289 = arith.subi %div3A_268, %sub3A_288 : i32
        %select_n3A_290 = arith.select %and3A_287, %sub3A_289, %div3A_268 : i32
        %rem3A_291 = arith.constant 2 : i32
        %rem3A_292 = arith.remsi %select_n3A_290, %rem3A_291 : i32
        %rem3A_293 = arith.constant 5 : i32
        %rem3A_294 = arith.remsi %add3A_266, %rem3A_293 : i32
        %dma_start3A_295 = arith.constant 0 : i32
        %dma_start3A_296 = arith.constant 0 : i32
        %dma_start3A_297 = tpu.memref_slice %arg9[%rem3A_224, %dma_start3A_295, %dma_start3A_296] : memref<3x112x128xf32, #tpu.memory_space<vmem>> -> memref<1x112x128xf32, #tpu.memory_space<vmem>>
        %dma_start3A_298 = tpu.memref_squeeze %dma_start3A_297 : memref<1x112x128xf32, #tpu.memory_space<vmem>> -> memref<112x128xf32, #tpu.memory_space<vmem>>
        %dma_start3A_299 = arith.constant 0 : i32
        %dma_start3A_300 = tpu.memref_slice %arg7[%rem3A_292, %rem3A_294, %dma_start3A_299] : memref<2x5x112xi32, #tpu.memory_space<vmem>> -> memref<1x1x112xi32, #tpu.memory_space<vmem>>
        %dma_start3A_301 = tpu.memref_squeeze %dma_start3A_300 : memref<1x1x112xi32, #tpu.memory_space<vmem>> -> memref<112xi32, #tpu.memory_space<vmem>>
        %dma_start3A_302 = arith.constant 0 : i32
        %dma_start3A_303 = arith.constant 0 : i32
        %dma_start3A_304 = tpu.memref_slice %arg2[%dma_start3A_302, %dma_start3A_303] : memref<10000x128xf32, #tpu.memory_space<hbm>> -> memref<10000x128xf32, #tpu.memory_space<hbm>>
        %dma_start3A_305 = tpu.memref_slice %arg11[%rem3A_224] : memref<3x!tpu.dma_semaphore, #tpu.memory_space<semaphore_mem>> -> memref<1x!tpu.dma_semaphore, #tpu.memory_space<semaphore_mem>>
        %dma_start3A_306 = tpu.memref_squeeze %dma_start3A_305 : memref<1x!tpu.dma_semaphore, #tpu.memory_space<semaphore_mem>> -> memref<!tpu.dma_semaphore, #tpu.memory_space<semaphore_mem>>
        tpu.enqueue_indirect_dma source(%dma_start3A_304 : memref<10000x128xf32, #tpu.memory_space<hbm>>) target(%dma_start3A_298 : memref<112x128xf32, #tpu.memory_space<vmem>>) offsets(%dma_start3A_301 : memref<112xi32, #tpu.memory_space<vmem>>) semaphore(%dma_start3A_306 : memref<!tpu.dma_semaphore, #tpu.memory_space<semaphore_mem>>)
      } else {
      }
      %eq3A_200 = arith.constant 0 : i32
      %eq3A_201 = arith.cmpi eq, %scan3A_137, %eq3A_200 : i32
      %convert_element_type3A_202 = arith.extui %eq3A_201 : i1 to i32
      %cond3A_203 = arith.constant 0 : i32
      %cond3A_204 = arith.cmpi ne, %convert_element_type3A_202, %cond3A_203 : i32
      scf.if %cond3A_204 {
        %dma_start3A_219 = arith.constant 0 : i32
        %dma_start3A_220 = arith.constant 2 : i32
        %dma_start3A_221 = arith.constant 2 : i32
        %dma_start3A_222 = arith.constant 2 : i32
        %dma_start3A_223 = arith.constant 0 : i32
        %dma_start3A_224 = arith.constant 0 : i32
        %dma_start3A_225 = tpu.memref_slice %arg9[%dma_start3A_221, %dma_start3A_223, %dma_start3A_224] : memref<3x112x128xf32, #tpu.memory_space<vmem>> -> memref<1x112x128xf32, #tpu.memory_space<vmem>>
        %dma_start3A_226 = tpu.memref_squeeze %dma_start3A_225 : memref<1x112x128xf32, #tpu.memory_space<vmem>> -> memref<112x128xf32, #tpu.memory_space<vmem>>
        %dma_start3A_227 = arith.constant 0 : i32
        %dma_start3A_228 = tpu.memref_slice %arg7[%dma_start3A_219, %dma_start3A_220, %dma_start3A_227] : memref<2x5x112xi32, #tpu.memory_space<vmem>> -> memref<1x1x112xi32, #tpu.memory_space<vmem>>
        %dma_start3A_229 = tpu.memref_squeeze %dma_start3A_228 : memref<1x1x112xi32, #tpu.memory_space<vmem>> -> memref<112xi32, #tpu.memory_space<vmem>>
        %dma_start3A_230 = arith.constant 0 : i32
        %dma_start3A_231 = arith.constant 0 : i32
        %dma_start3A_232 = tpu.memref_slice %arg2[%dma_start3A_230, %dma_start3A_231] : memref<10000x128xf32, #tpu.memory_space<hbm>> -> memref<10000x128xf32, #tpu.memory_space<hbm>>
        %dma_start3A_233 = tpu.memref_slice %arg11[%dma_start3A_222] : memref<3x!tpu.dma_semaphore, #tpu.memory_space<semaphore_mem>> -> memref<1x!tpu.dma_semaphore, #tpu.memory_space<semaphore_mem>>
        %dma_start3A_234 = tpu.memref_squeeze %dma_start3A_233 : memref<1x!tpu.dma_semaphore, #tpu.memory_space<semaphore_mem>> -> memref<!tpu.dma_semaphore, #tpu.memory_space<semaphore_mem>>
        tpu.enqueue_indirect_dma source(%dma_start3A_232 : memref<10000x128xf32, #tpu.memory_space<hbm>>) target(%dma_start3A_226 : memref<112x128xf32, #tpu.memory_space<vmem>>) offsets(%dma_start3A_229 : memref<112xi32, #tpu.memory_space<vmem>>) semaphore(%dma_start3A_234 : memref<!tpu.dma_semaphore, #tpu.memory_space<semaphore_mem>>)
      } else {
      }
      %eq3A_205 = arith.constant 0 : i32
      %eq3A_206 = arith.cmpi eq, %rem3A_156, %eq3A_205 : i32
      %ge3A_207 = arith.constant 1 : i32
      %ge3A_208 = arith.cmpi sge, %select_n3A, %ge3A_207 : i32
      %add3A_209 = arith.constant 1 : i32
      %add3A_210 = arith.addi %select_n3A, %add3A_209 : i32
      %lt3A_211 = arith.constant 18 : i32
      %lt3A_212 = arith.cmpi slt, %add3A_210, %lt3A_211 : i32
      %and3A_213 = arith.andi %ge3A_208, %lt3A_212 : i1
      %and3A_214 = arith.andi %eq3A_206, %and3A_213 : i1
      %convert_element_type3A_215 = arith.extui %and3A_214 : i1 to i32
      %cond3A_216 = arith.constant 0 : i32
      %cond3A_217 = arith.cmpi ne, %convert_element_type3A_215, %cond3A_216 : i32
      scf.if %cond3A_217 {
        %add3A_219 = arith.constant 1 : i32
        %add3A_220 = arith.addi %select_n3A, %add3A_219 : i32
        %rem3A_221 = arith.constant 2 : i32
        %rem3A_222 = arith.remsi %add3A_220, %rem3A_221 : i32
        %add3A_223 = arith.constant 1 : i32
        %add3A_224 = arith.addi %select_n3A, %add3A_223 : i32
        %dma_start3A_225 = arith.constant 0 : i32
        %dma_start3A_226 = arith.constant 0 : i32
        %dma_start3A_227 = tpu.memref_slice %arg7[%rem3A_222, %dma_start3A_225, %dma_start3A_226] : memref<2x5x112xi32, #tpu.memory_space<vmem>> -> memref<1x5x112xi32, #tpu.memory_space<vmem>>
        %dma_start3A_228 = tpu.memref_squeeze %dma_start3A_227 : memref<1x5x112xi32, #tpu.memory_space<vmem>> -> memref<5x112xi32, #tpu.memory_space<vmem>>
        %dma_start3A_229 = arith.constant 0 : i32
        %dma_start3A_230 = arith.constant 0 : i32
        %dma_start3A_231 = tpu.memref_slice %arg3[%add3A, %add3A_224, %dma_start3A_229, %dma_start3A_230] : memref<32x18x5x112xi32, #tpu.memory_space<hbm>> -> memref<1x1x5x112xi32, #tpu.memory_space<hbm>>
        %dma_start3A_232 = tpu.memref_squeeze %dma_start3A_231 : memref<1x1x5x112xi32, #tpu.memory_space<hbm>> -> memref<5x112xi32, #tpu.memory_space<hbm>>
        %dma_start3A_233 = tpu.memref_slice %arg10[%rem3A_222] : memref<2x!tpu.dma_semaphore, #tpu.memory_space<semaphore_mem>> -> memref<1x!tpu.dma_semaphore, #tpu.memory_space<semaphore_mem>>
        %dma_start3A_234 = tpu.memref_squeeze %dma_start3A_233 : memref<1x!tpu.dma_semaphore, #tpu.memory_space<semaphore_mem>> -> memref<!tpu.dma_semaphore, #tpu.memory_space<semaphore_mem>>
        %dma_start3A_235 = arith.constant 0 : i32
        %dma_start3A_236 = arith.constant 0 : i32
        %dma_start3A_237 = tpu.memref_slice %arg7[%rem3A_222, %dma_start3A_235, %dma_start3A_236] : memref<2x5x112xi32, #tpu.memory_space<vmem>> -> memref<1x5x112xi32, #tpu.memory_space<vmem>>
        %dma_start3A_238 = tpu.memref_squeeze %dma_start3A_237 : memref<1x5x112xi32, #tpu.memory_space<vmem>> -> memref<5x112xi32, #tpu.memory_space<vmem>>
        %dma_start3A_239 = arith.constant 0 : i32
        %dma_start3A_240 = arith.constant 0 : i32
        %dma_start3A_241 = tpu.memref_slice %arg3[%add3A, %add3A_224, %dma_start3A_239, %dma_start3A_240] : memref<32x18x5x112xi32, #tpu.memory_space<hbm>> -> memref<1x1x5x112xi32, #tpu.memory_space<hbm>>
        %dma_start3A_242 = tpu.memref_squeeze %dma_start3A_241 : memref<1x1x5x112xi32, #tpu.memory_space<hbm>> -> memref<5x112xi32, #tpu.memory_space<hbm>>
        tpu.enqueue_dma source(%dma_start3A_242 : memref<5x112xi32, #tpu.memory_space<hbm>>) target(%dma_start3A_238 : memref<5x112xi32, #tpu.memory_space<vmem>>) target_semaphore(%dma_start3A_234 : memref<!tpu.dma_semaphore, #tpu.memory_space<semaphore_mem>>)
        %add3A_243 = arith.constant 1 : i32
        %add3A_244 = arith.addi %select_n3A, %add3A_243 : i32
        %dma_start3A_245 = arith.constant 0 : i32
        %dma_start3A_246 = arith.constant 0 : i32
        %dma_start3A_247 = tpu.memref_slice %arg8[%rem3A_222, %dma_start3A_245, %dma_start3A_246] : memref<2x5x112xi32, #tpu.memory_space<vmem>> -> memref<1x5x112xi32, #tpu.memory_space<vmem>>
        %dma_start3A_248 = tpu.memref_squeeze %dma_start3A_247 : memref<1x5x112xi32, #tpu.memory_space<vmem>> -> memref<5x112xi32, #tpu.memory_space<vmem>>
        %dma_start3A_249 = arith.constant 0 : i32
        %dma_start3A_250 = arith.constant 0 : i32
        %dma_start3A_251 = tpu.memref_slice %arg4[%add3A, %add3A_244, %dma_start3A_249, %dma_start3A_250] : memref<32x18x5x112xi32, #tpu.memory_space<hbm>> -> memref<1x1x5x112xi32, #tpu.memory_space<hbm>>
        %dma_start3A_252 = tpu.memref_squeeze %dma_start3A_251 : memref<1x1x5x112xi32, #tpu.memory_space<hbm>> -> memref<5x112xi32, #tpu.memory_space<hbm>>
        %dma_start3A_253 = tpu.memref_slice %arg10[%rem3A_222] : memref<2x!tpu.dma_semaphore, #tpu.memory_space<semaphore_mem>> -> memref<1x!tpu.dma_semaphore, #tpu.memory_space<semaphore_mem>>
        %dma_start3A_254 = tpu.memref_squeeze %dma_start3A_253 : memref<1x!tpu.dma_semaphore, #tpu.memory_space<semaphore_mem>> -> memref<!tpu.dma_semaphore, #tpu.memory_space<semaphore_mem>>
        %dma_start3A_255 = arith.constant 0 : i32
        %dma_start3A_256 = arith.constant 0 : i32
        %dma_start3A_257 = tpu.memref_slice %arg8[%rem3A_222, %dma_start3A_255, %dma_start3A_256] : memref<2x5x112xi32, #tpu.memory_space<vmem>> -> memref<1x5x112xi32, #tpu.memory_space<vmem>>
        %dma_start3A_258 = tpu.memref_squeeze %dma_start3A_257 : memref<1x5x112xi32, #tpu.memory_space<vmem>> -> memref<5x112xi32, #tpu.memory_space<vmem>>
        %dma_start3A_259 = arith.constant 0 : i32
        %dma_start3A_260 = arith.constant 0 : i32
        %dma_start3A_261 = tpu.memref_slice %arg4[%add3A, %add3A_244, %dma_start3A_259, %dma_start3A_260] : memref<32x18x5x112xi32, #tpu.memory_space<hbm>> -> memref<1x1x5x112xi32, #tpu.memory_space<hbm>>
        %dma_start3A_262 = tpu.memref_squeeze %dma_start3A_261 : memref<1x1x5x112xi32, #tpu.memory_space<hbm>> -> memref<5x112xi32, #tpu.memory_space<hbm>>
        tpu.enqueue_dma source(%dma_start3A_262 : memref<5x112xi32, #tpu.memory_space<hbm>>) target(%dma_start3A_258 : memref<5x112xi32, #tpu.memory_space<vmem>>) target_semaphore(%dma_start3A_254 : memref<!tpu.dma_semaphore, #tpu.memory_space<semaphore_mem>>)
      } else {
      }
      %scan3A_218 = arith.constant 0 : i32
      scf.yield %scan3A_218 : i32
    }
    %scan3A_84 = arith.constant 90 : i32
    %dma_wait3A = arith.constant 0 : i32
    %dma_wait3A_85 = arith.constant 1 : i32
    %dma_wait3A_86 = arith.constant 2 : i32
    %dma_wait3A_87 = arith.constant 0 : i32
    %dma_wait3A_88 = arith.constant 0 : i32
    %dma_wait3A_89 = arith.constant 0 : i32
    %dma_wait3A_90 = tpu.memref_slice %arg9[%dma_wait3A, %dma_wait3A_88, %dma_wait3A_89] : memref<3x112x128xf32, #tpu.memory_space<vmem>> -> memref<1x112x128xf32, #tpu.memory_space<vmem>>
    %dma_wait3A_91 = tpu.memref_squeeze %dma_wait3A_90 : memref<1x112x128xf32, #tpu.memory_space<vmem>> -> memref<112x128xf32, #tpu.memory_space<vmem>>
    %dma_wait3A_92 = arith.constant 0 : i32
    %dma_wait3A_93 = tpu.memref_slice %arg8[%dma_wait3A_85, %dma_wait3A_86, %dma_wait3A_92] : memref<2x5x112xi32, #tpu.memory_space<vmem>> -> memref<1x1x112xi32, #tpu.memory_space<vmem>>
    %dma_wait3A_94 = tpu.memref_squeeze %dma_wait3A_93 : memref<1x1x112xi32, #tpu.memory_space<vmem>> -> memref<112xi32, #tpu.memory_space<vmem>>
    %dma_wait3A_95 = arith.constant 0 : i32
    %dma_wait3A_96 = arith.constant 0 : i32
    %dma_wait3A_97 = tpu.memref_slice %arg13[%dma_wait3A_95, %dma_wait3A_96] : memref<10240x128xf32, #tpu.memory_space<vmem_shared>> -> memref<10240x128xf32, #tpu.memory_space<vmem_shared>>
    %dma_wait3A_98 = tpu.memref_slice %arg12[%dma_wait3A_87] : memref<3x!tpu.dma_semaphore, #tpu.memory_space<semaphore_mem>> -> memref<1x!tpu.dma_semaphore, #tpu.memory_space<semaphore_mem>>
    %dma_wait3A_99 = tpu.memref_squeeze %dma_wait3A_98 : memref<1x!tpu.dma_semaphore, #tpu.memory_space<semaphore_mem>> -> memref<!tpu.dma_semaphore, #tpu.memory_space<semaphore_mem>>
    tpu.wait_indirect_dma semaphore(%dma_wait3A_99 : memref<!tpu.dma_semaphore, #tpu.memory_space<semaphore_mem>>) src(%dma_wait3A_91 : memref<112x128xf32, #tpu.memory_space<vmem>>) dst(%dma_wait3A_97 : memref<10240x128xf32, #tpu.memory_space<vmem_shared>>)
    %dma_wait3A_100 = arith.constant 1 : i32
    %dma_wait3A_101 = arith.constant 1 : i32
    %dma_wait3A_102 = arith.constant 3 : i32
    %dma_wait3A_103 = arith.constant 1 : i32
    %dma_wait3A_104 = arith.constant 0 : i32
    %dma_wait3A_105 = arith.constant 0 : i32
    %dma_wait3A_106 = tpu.memref_slice %arg9[%dma_wait3A_100, %dma_wait3A_104, %dma_wait3A_105] : memref<3x112x128xf32, #tpu.memory_space<vmem>> -> memref<1x112x128xf32, #tpu.memory_space<vmem>>
    %dma_wait3A_107 = tpu.memref_squeeze %dma_wait3A_106 : memref<1x112x128xf32, #tpu.memory_space<vmem>> -> memref<112x128xf32, #tpu.memory_space<vmem>>
    %dma_wait3A_108 = arith.constant 0 : i32
    %dma_wait3A_109 = tpu.memref_slice %arg8[%dma_wait3A_101, %dma_wait3A_102, %dma_wait3A_108] : memref<2x5x112xi32, #tpu.memory_space<vmem>> -> memref<1x1x112xi32, #tpu.memory_space<vmem>>
    %dma_wait3A_110 = tpu.memref_squeeze %dma_wait3A_109 : memref<1x1x112xi32, #tpu.memory_space<vmem>> -> memref<112xi32, #tpu.memory_space<vmem>>
    %dma_wait3A_111 = arith.constant 0 : i32
    %dma_wait3A_112 = arith.constant 0 : i32
    %dma_wait3A_113 = tpu.memref_slice %arg13[%dma_wait3A_111, %dma_wait3A_112] : memref<10240x128xf32, #tpu.memory_space<vmem_shared>> -> memref<10240x128xf32, #tpu.memory_space<vmem_shared>>
    %dma_wait3A_114 = tpu.memref_slice %arg12[%dma_wait3A_103] : memref<3x!tpu.dma_semaphore, #tpu.memory_space<semaphore_mem>> -> memref<1x!tpu.dma_semaphore, #tpu.memory_space<semaphore_mem>>
    %dma_wait3A_115 = tpu.memref_squeeze %dma_wait3A_114 : memref<1x!tpu.dma_semaphore, #tpu.memory_space<semaphore_mem>> -> memref<!tpu.dma_semaphore, #tpu.memory_space<semaphore_mem>>
    tpu.wait_indirect_dma semaphore(%dma_wait3A_115 : memref<!tpu.dma_semaphore, #tpu.memory_space<semaphore_mem>>) src(%dma_wait3A_107 : memref<112x128xf32, #tpu.memory_space<vmem>>) dst(%dma_wait3A_113 : memref<10240x128xf32, #tpu.memory_space<vmem_shared>>)
    %dma_wait3A_116 = arith.constant 2 : i32
    %dma_wait3A_117 = arith.constant 1 : i32
    %dma_wait3A_118 = arith.constant 4 : i32
    %dma_wait3A_119 = arith.constant 2 : i32
    %dma_wait3A_120 = arith.constant 0 : i32
    %dma_wait3A_121 = arith.constant 0 : i32
    %dma_wait3A_122 = tpu.memref_slice %arg9[%dma_wait3A_116, %dma_wait3A_120, %dma_wait3A_121] : memref<3x112x128xf32, #tpu.memory_space<vmem>> -> memref<1x112x128xf32, #tpu.memory_space<vmem>>
    %dma_wait3A_123 = tpu.memref_squeeze %dma_wait3A_122 : memref<1x112x128xf32, #tpu.memory_space<vmem>> -> memref<112x128xf32, #tpu.memory_space<vmem>>
    %dma_wait3A_124 = arith.constant 0 : i32
    %dma_wait3A_125 = tpu.memref_slice %arg8[%dma_wait3A_117, %dma_wait3A_118, %dma_wait3A_124] : memref<2x5x112xi32, #tpu.memory_space<vmem>> -> memref<1x1x112xi32, #tpu.memory_space<vmem>>
    %dma_wait3A_126 = tpu.memref_squeeze %dma_wait3A_125 : memref<1x1x112xi32, #tpu.memory_space<vmem>> -> memref<112xi32, #tpu.memory_space<vmem>>
    %dma_wait3A_127 = arith.constant 0 : i32
    %dma_wait3A_128 = arith.constant 0 : i32
    %dma_wait3A_129 = tpu.memref_slice %arg13[%dma_wait3A_127, %dma_wait3A_128] : memref<10240x128xf32, #tpu.memory_space<vmem_shared>> -> memref<10240x128xf32, #tpu.memory_space<vmem_shared>>
    %dma_wait3A_130 = tpu.memref_slice %arg12[%dma_wait3A_119] : memref<3x!tpu.dma_semaphore, #tpu.memory_space<semaphore_mem>> -> memref<1x!tpu.dma_semaphore, #tpu.memory_space<semaphore_mem>>
    %dma_wait3A_131 = tpu.memref_squeeze %dma_wait3A_130 : memref<1x!tpu.dma_semaphore, #tpu.memory_space<semaphore_mem>> -> memref<!tpu.dma_semaphore, #tpu.memory_space<semaphore_mem>>
    tpu.wait_indirect_dma semaphore(%dma_wait3A_131 : memref<!tpu.dma_semaphore, #tpu.memory_space<semaphore_mem>>) src(%dma_wait3A_123 : memref<112x128xf32, #tpu.memory_space<vmem>>) dst(%dma_wait3A_129 : memref<10240x128xf32, #tpu.memory_space<vmem_shared>>)
    %barrier3A_132 = arith.constant 0 : index
    tpu.barrier barrier_id(%barrier3A_132)
    %mul3A_133 = arith.constant 640 : i32
    %mul3A_134 = arith.muli %arg1, %mul3A_133 : i32
    %mul3A_135 = arith.constant 640 : i32
    %mul3A_136 = arith.muli %arg1, %mul3A_135 : i32
    "tpu.region"() ({
      %run_scoped3A_137 = tpu.sem_alloc : memref<!tpu.dma_semaphore, #tpu.memory_space<semaphore_mem>>
      %dma_start3A_138 = arith.constant 0 : i32
      %dma_start3A_139 = arith.constant 0 : i32
      %dma_start3A_140 = tpu.memref_slice %arg6[%arg0, %dma_start3A_138, %dma_start3A_139] : memref<2x10240x128xf32, #tpu.memory_space<hbm>> -> memref<1x10240x128xf32, #tpu.memory_space<hbm>>
      %dma_start3A_141 = tpu.memref_squeeze %dma_start3A_140 : memref<1x10240x128xf32, #tpu.memory_space<hbm>> -> memref<10240x128xf32, #tpu.memory_space<hbm>>
      %dma_start3A_142 = arith.constant 0 : i32
      %dma_start3A_143 = tpu.memref_slice %dma_start3A_141[%mul3A_136, %dma_start3A_142] : memref<10240x128xf32, #tpu.memory_space<hbm>> -> memref<640x128xf32, #tpu.memory_space<hbm>>
      %dma_start3A_144 = arith.constant 0 : i32
      %dma_start3A_145 = tpu.memref_slice %arg13[%mul3A_134, %dma_start3A_144] : memref<10240x128xf32, #tpu.memory_space<vmem_shared>> -> memref<640x128xf32, #tpu.memory_space<vmem_shared>>
      tpu.enqueue_dma source(%dma_start3A_145 : memref<640x128xf32, #tpu.memory_space<vmem_shared>>) target(%dma_start3A_143 : memref<640x128xf32, #tpu.memory_space<hbm>>) target_semaphore(%run_scoped3A_137 : memref<!tpu.dma_semaphore, #tpu.memory_space<semaphore_mem>>)
      %dma_wait3A_146 = arith.constant 0 : i32
      %dma_wait3A_147 = arith.constant 0 : i32
      %dma_wait3A_148 = tpu.memref_slice %arg6[%arg0, %dma_wait3A_146, %dma_wait3A_147] : memref<2x10240x128xf32, #tpu.memory_space<hbm>> -> memref<1x10240x128xf32, #tpu.memory_space<hbm>>
      %dma_wait3A_149 = tpu.memref_squeeze %dma_wait3A_148 : memref<1x10240x128xf32, #tpu.memory_space<hbm>> -> memref<10240x128xf32, #tpu.memory_space<hbm>>
      %dma_wait3A_150 = arith.constant 0 : i32
      %dma_wait3A_151 = tpu.memref_slice %dma_wait3A_149[%mul3A_136, %dma_wait3A_150] : memref<10240x128xf32, #tpu.memory_space<hbm>> -> memref<640x128xf32, #tpu.memory_space<hbm>>
      %dma_wait3A_152 = arith.constant 0 : i32
      %dma_wait3A_153 = tpu.memref_slice %arg13[%mul3A_134, %dma_wait3A_152] : memref<10240x128xf32, #tpu.memory_space<vmem_shared>> -> memref<640x128xf32, #tpu.memory_space<vmem_shared>>
      tpu.wait_dma2 semaphore(%run_scoped3A_137 : memref<!tpu.dma_semaphore, #tpu.memory_space<semaphore_mem>>) src(%dma_wait3A_153 : memref<640x128xf32, #tpu.memory_space<vmem_shared>>) dst(%dma_wait3A_151 : memref<640x128xf32, #tpu.memory_space<hbm>>)
      tpu.yield
    }) : () -> ()
    return
  }
}

module attributes {stable_mosaic.version = 14 : i64} {
  func.func @_degsum_body(%arg0: memref<32x80x128xf32, #tpu.memory_space<vmem>>, %arg1: memref<80x128xf32, #tpu.memory_space<vmem>>) attributes {dimension_semantics = [], scalar_prefetch = 0 : i64, scratch_operands = 0 : i64, tpu.core_type = #tpu.core_type<tc>} {
    %get3A = arith.constant 0 : index
    %get3A_0 = arith.constant 0 : index
    %get3A_1 = arith.constant 0 : index
    %get3A_2 = vector.load %arg0[%get3A, %get3A_0, %get3A_1] : memref<32x80x128xf32, #tpu.memory_space<vmem>>, vector<32x80x128xf32>
    %reduce_sum3A = arith.constant dense<0.000000e+00> : vector<80x128xf32>
    %reduce_sum3A_3 = vector.multi_reduction <add>, %get3A_2, %reduce_sum3A [0] : vector<32x80x128xf32> to vector<80x128xf32>
    %swap3A = arith.constant 0 : index
    %swap3A_4 = arith.constant 0 : index
    %swap3A_5 = vector.load %arg1[%swap3A, %swap3A_4] : memref<80x128xf32, #tpu.memory_space<vmem>>, vector<80x128xf32>
    tpu.vector_store %arg1[%swap3A, %swap3A_4], %reduce_sum3A_3 {strides = array<i32>} : memref<80x128xf32, #tpu.memory_space<vmem>>, vector<80x128xf32>,
    return
  }
}

module attributes {stable_mosaic.version = 14 : i64} {
  func.func @_prep_body(%arg0: i32, %arg1: memref<2000x1xf32, #tpu.memory_space<vmem>>, %arg2: memref<2000x128xf32, #tpu.memory_space<vmem>>, %arg3: memref<2000x1xf32, #tpu.memory_space<vmem>>, %arg4: memref<2000x128xf32, #tpu.memory_space<vmem>>) attributes {dimension_semantics = [#tpu.dimension_semantics<arbitrary>], iteration_bounds = array<i64: 5>, scalar_prefetch = 0 : i64, scratch_operands = 0 : i64, tpu.core_type = #tpu.core_type<tc>, window_params = [{transform_indices = @transform_0, window_bounds = array<i64: 2000, 1>}, {transform_indices = @transform_1, window_bounds = array<i64: 2000, 128>}, {transform_indices = @transform_2, window_bounds = array<i64: 2000, 1>}, {transform_indices = @transform_3, window_bounds = array<i64: 2000, 128>}]} {
    %get3A = arith.constant 0 : index
    %get3A_0 = arith.constant 0 : index
    %get3A_1 = vector.load %arg1[%get3A, %get3A_0] : memref<2000x1xf32, #tpu.memory_space<vmem>>, vector<2000x1xf32>
    %max3A = arith.constant 1.000000e+00 : f32
    %max3A_2 = vector.broadcast %max3A : f32 to vector<2000x1xf32>
    %max3A_3 = arith.maximumf %get3A_1, %max3A_2 : vector<2000x1xf32>
    %rsqrt3A = math.rsqrt %max3A_3 : vector<2000x1xf32>
    %swap3A = arith.constant 0 : index
    %swap3A_4 = arith.constant 0 : index
    %swap3A_5 = vector.load %arg3[%swap3A, %swap3A_4] : memref<2000x1xf32, #tpu.memory_space<vmem>>, vector<2000x1xf32>
    tpu.vector_store %arg3[%swap3A, %swap3A_4], %rsqrt3A {strides = array<i32>} : memref<2000x1xf32, #tpu.memory_space<vmem>>, vector<2000x1xf32>,
    %get3A_6 = arith.constant 0 : index
    %get3A_7 = arith.constant 0 : index
    %get3A_8 = vector.load %arg2[%get3A_6, %get3A_7] : memref<2000x128xf32, #tpu.memory_space<vmem>>, vector<2000x128xf32>
    %mul3A = vector.broadcast %rsqrt3A : vector<2000x1xf32> to vector<2000x128xf32>
    %mul3A_9 = arith.mulf %get3A_8, %mul3A : vector<2000x128xf32>
    %swap3A_10 = arith.constant 0 : index
    %swap3A_11 = arith.constant 0 : index
    %swap3A_12 = vector.load %arg4[%swap3A_10, %swap3A_11] : memref<2000x128xf32, #tpu.memory_space<vmem>>, vector<2000x128xf32>
    tpu.vector_store %arg4[%swap3A_10, %swap3A_11], %mul3A_9 {strides = array<i32>} : memref<2000x128xf32, #tpu.memory_space<vmem>>, vector<2000x128xf32>,
    return
  }
  func.func @transform_0(%arg0: i32) -> (i32, i32) {
    %c0_i32 = arith.constant 0 : i32
    %c0_i32_0 = arith.constant 0 : i32
    return %arg0, %c0_i32 : i32, i32
  }
  func.func @transform_1(%arg0: i32) -> (i32, i32) {
    %c0_i32 = arith.constant 0 : i32
    %c0_i32_0 = arith.constant 0 : i32
    return %arg0, %c0_i32 : i32, i32
  }
  func.func @transform_2(%arg0: i32) -> (i32, i32) {
    %c0_i32 = arith.constant 0 : i32
    %c0_i32_0 = arith.constant 0 : i32
    return %arg0, %c0_i32 : i32, i32
  }
  func.func @transform_3(%arg0: i32) -> (i32, i32) {
    %c0_i32 = arith.constant 0 : i32
    %c0_i32_0 = arith.constant 0 : i32
    return %arg0, %c0_i32 : i32, i32
  }
}

module attributes {stable_mosaic.version = 14 : i64} {
  func.func @_mid_body(%arg0: i32, %arg1: memref<1x2000x128xf32, #tpu.memory_space<vmem>>, %arg2: memref<1x2000x128xf32, #tpu.memory_space<vmem>>, %arg3: memref<2000x1xf32, #tpu.memory_space<vmem>>, %arg4: memref<2000x128xf32, #tpu.memory_space<vmem>>, %arg5: memref<2000x128xf32, #tpu.memory_space<vmem>>) attributes {dimension_semantics = [#tpu.dimension_semantics<arbitrary>], iteration_bounds = array<i64: 5>, scalar_prefetch = 0 : i64, scratch_operands = 0 : i64, tpu.core_type = #tpu.core_type<tc>, window_params = [{transform_indices = @transform_0, window_bounds = array<i64: 1, 2000, 128>}, {transform_indices = @transform_1, window_bounds = array<i64: 1, 2000, 128>}, {transform_indices = @transform_2, window_bounds = array<i64: 2000, 1>}, {transform_indices = @transform_3, window_bounds = array<i64: 2000, 128>}, {transform_indices = @transform_4, window_bounds = array<i64: 2000, 128>}]} {
    %get3A = arith.constant 0 : index
    %get3A_0 = arith.constant 0 : index
    %get3A_1 = vector.load %arg3[%get3A, %get3A_0] : memref<2000x1xf32, #tpu.memory_space<vmem>>, vector<2000x1xf32>
    %get3A_2 = arith.constant 0 : index
    %get3A_3 = arith.constant 0 : index
    %get3A_4 = arith.constant 0 : index
    %get3A_5 = vector.load %arg1[%get3A_2, %get3A_3, %get3A_4] : memref<1x2000x128xf32, #tpu.memory_space<vmem>>, vector<1x2000x128xf32>
    %get3A_6 = vector.shape_cast %get3A_5 : vector<1x2000x128xf32> to vector<2000x128xf32>
    %get3A_7 = arith.constant 0 : index
    %get3A_8 = arith.constant 0 : index
    %get3A_9 = arith.constant 0 : index
    %get3A_10 = vector.load %arg2[%get3A_7, %get3A_8, %get3A_9] : memref<1x2000x128xf32, #tpu.memory_space<vmem>>, vector<1x2000x128xf32>
    %get3A_11 = vector.shape_cast %get3A_10 : vector<1x2000x128xf32> to vector<2000x128xf32>
    %add3A = arith.addf %get3A_6, %get3A_11 : vector<2000x128xf32>
    %mul3A = vector.broadcast %get3A_1 : vector<2000x1xf32> to vector<2000x128xf32>
    %mul3A_12 = arith.mulf %add3A, %mul3A : vector<2000x128xf32>
    %swap3A = arith.constant 0 : index
    %swap3A_13 = arith.constant 0 : index
    %swap3A_14 = vector.load %arg4[%swap3A, %swap3A_13] : memref<2000x128xf32, #tpu.memory_space<vmem>>, vector<2000x128xf32>
    tpu.vector_store %arg4[%swap3A, %swap3A_13], %mul3A_12 {strides = array<i32>} : memref<2000x128xf32, #tpu.memory_space<vmem>>, vector<2000x128xf32>,
    %mul3A_15 = vector.broadcast %get3A_1 : vector<2000x1xf32> to vector<2000x128xf32>
    %mul3A_16 = arith.mulf %mul3A_12, %mul3A_15 : vector<2000x128xf32>
    %swap3A_17 = arith.constant 0 : index
    %swap3A_18 = arith.constant 0 : index
    %swap3A_19 = vector.load %arg5[%swap3A_17, %swap3A_18] : memref<2000x128xf32, #tpu.memory_space<vmem>>, vector<2000x128xf32>
    tpu.vector_store %arg5[%swap3A_17, %swap3A_18], %mul3A_16 {strides = array<i32>} : memref<2000x128xf32, #tpu.memory_space<vmem>>, vector<2000x128xf32>,
    return
  }
  func.func @transform_0(%arg0: i32) -> (i32, i32, i32) {
    %c0_i32 = arith.constant 0 : i32
    %c0_i32_0 = arith.constant 0 : i32
    %c0_i32_1 = arith.constant 0 : i32
    return %c0_i32, %arg0, %c0_i32_0 : i32, i32, i32
  }
  func.func @transform_1(%arg0: i32) -> (i32, i32, i32) {
    %c1_i32 = arith.constant 1 : i32
    %c0_i32 = arith.constant 0 : i32
    %c0_i32_0 = arith.constant 0 : i32
    return %c1_i32, %arg0, %c0_i32 : i32, i32, i32
  }
  func.func @transform_2(%arg0: i32) -> (i32, i32) {
    %c0_i32 = arith.constant 0 : i32
    %c0_i32_0 = arith.constant 0 : i32
    return %arg0, %c0_i32 : i32, i32
  }
  func.func @transform_3(%arg0: i32) -> (i32, i32) {
    %c0_i32 = arith.constant 0 : i32
    %c0_i32_0 = arith.constant 0 : i32
    return %arg0, %c0_i32 : i32, i32
  }
  func.func @transform_4(%arg0: i32) -> (i32, i32) {
    %c0_i32 = arith.constant 0 : i32
    %c0_i32_0 = arith.constant 0 : i32
    return %arg0, %c0_i32 : i32, i32
  }
}

module attributes {stable_mosaic.version = 14 : i64} {
  func.func @_final_body(%arg0: i32, %arg1: memref<1x2000x128xf32, #tpu.memory_space<vmem>>, %arg2: memref<1x2000x128xf32, #tpu.memory_space<vmem>>, %arg3: memref<2000x1xf32, #tpu.memory_space<vmem>>, %arg4: memref<2000x128xf32, #tpu.memory_space<vmem>>, %arg5: memref<2000x128xf32, #tpu.memory_space<vmem>>, %arg6: memref<128x128xf32, #tpu.memory_space<vmem>>, %arg7: memref<128x128xf32, #tpu.memory_space<vmem>>, %arg8: memref<128x128xf32, #tpu.memory_space<vmem>>, %arg9: memref<1x128xf32, #tpu.memory_space<vmem>>, %arg10: memref<2000x128xf32, #tpu.memory_space<vmem>>) attributes {dimension_semantics = [#tpu.dimension_semantics<arbitrary>], iteration_bounds = array<i64: 5>, scalar_prefetch = 0 : i64, scratch_operands = 0 : i64, tpu.core_type = #tpu.core_type<tc>, window_params = [{transform_indices = @transform_0, window_bounds = array<i64: 1, 2000, 128>}, {transform_indices = @transform_1, window_bounds = array<i64: 1, 2000, 128>}, {transform_indices = @transform_2, window_bounds = array<i64: 2000, 1>}, {transform_indices = @transform_3, window_bounds = array<i64: 2000, 128>}, {transform_indices = @transform_4, window_bounds = array<i64: 2000, 128>}, {pipeline_mode = #tpu.pipeline_mode<synchronous>, transform_indices = @transform_5, window_bounds = array<i64: 128, 128>}, {pipeline_mode = #tpu.pipeline_mode<synchronous>, transform_indices = @transform_6, window_bounds = array<i64: 128, 128>}, {pipeline_mode = #tpu.pipeline_mode<synchronous>, transform_indices = @transform_7, window_bounds = array<i64: 128, 128>}, {pipeline_mode = #tpu.pipeline_mode<synchronous>, transform_indices = @transform_8, window_bounds = array<i64: 1, 128>}, {transform_indices = @transform_9, window_bounds = array<i64: 2000, 128>}]} {
    %get3A = arith.constant 0 : index
    %get3A_0 = arith.constant 0 : index
    %get3A_1 = arith.constant 0 : index
    %get3A_2 = vector.load %arg1[%get3A, %get3A_0, %get3A_1] : memref<1x2000x128xf32, #tpu.memory_space<vmem>>, vector<1x2000x128xf32>
    %get3A_3 = vector.shape_cast %get3A_2 : vector<1x2000x128xf32> to vector<2000x128xf32>
    %get3A_4 = arith.constant 0 : index
    %get3A_5 = arith.constant 0 : index
    %get3A_6 = arith.constant 0 : index
    %get3A_7 = vector.load %arg2[%get3A_4, %get3A_5, %get3A_6] : memref<1x2000x128xf32, #tpu.memory_space<vmem>>, vector<1x2000x128xf32>
    %get3A_8 = vector.shape_cast %get3A_7 : vector<1x2000x128xf32> to vector<2000x128xf32>
    %add3A = arith.addf %get3A_3, %get3A_8 : vector<2000x128xf32>
    %get3A_9 = arith.constant 0 : index
    %get3A_10 = arith.constant 0 : index
    %get3A_11 = vector.load %arg3[%get3A_9, %get3A_10] : memref<2000x1xf32, #tpu.memory_space<vmem>>, vector<2000x1xf32>
    %mul3A = vector.broadcast %get3A_11 : vector<2000x1xf32> to vector<2000x128xf32>
    %mul3A_12 = arith.mulf %add3A, %mul3A : vector<2000x128xf32>
    %get3A_13 = arith.constant 0 : index
    %get3A_14 = arith.constant 0 : index
    %get3A_15 = vector.load %arg4[%get3A_13, %get3A_14] : memref<2000x128xf32, #tpu.memory_space<vmem>>, vector<2000x128xf32>
    %get3A_16 = arith.constant 0 : index
    %get3A_17 = arith.constant 0 : index
    %get3A_18 = vector.load %arg6[%get3A_16, %get3A_17] : memref<128x128xf32, #tpu.memory_space<vmem>>, vector<128x128xf32>
    %dot_general3A = arith.constant dense<0.000000e+00> : vector<2000x128xf32>
    %dot_general3A_19 = tpu.matmul %get3A_15, %get3A_18, %dot_general3A {dimension_numbers = #tpu.dot_dimension_numbers<[1], [0], [0], [1], [0, 0, 1, 1], [], []>, transpose_lhs_hint = false} : vector<2000x128xf32>, vector<128x128xf32>, vector<2000x128xf32> -> vector<2000x128xf32>
    %get3A_20 = arith.constant 0 : index
    %get3A_21 = arith.constant 0 : index
    %get3A_22 = vector.load %arg5[%get3A_20, %get3A_21] : memref<2000x128xf32, #tpu.memory_space<vmem>>, vector<2000x128xf32>
    %get3A_23 = arith.constant 0 : index
    %get3A_24 = arith.constant 0 : index
    %get3A_25 = vector.load %arg7[%get3A_23, %get3A_24] : memref<128x128xf32, #tpu.memory_space<vmem>>, vector<128x128xf32>
    %dot_general3A_26 = arith.constant dense<0.000000e+00> : vector<2000x128xf32>
    %dot_general3A_27 = tpu.matmul %get3A_22, %get3A_25, %dot_general3A_26 {dimension_numbers = #tpu.dot_dimension_numbers<[1], [0], [0], [1], [0, 0, 1, 1], [], []>, transpose_lhs_hint = false} : vector<2000x128xf32>, vector<128x128xf32>, vector<2000x128xf32> -> vector<2000x128xf32>
    %add3A_28 = arith.addf %dot_general3A_19, %dot_general3A_27 : vector<2000x128xf32>
    %get3A_29 = arith.constant 0 : index
    %get3A_30 = arith.constant 0 : index
    %get3A_31 = vector.load %arg8[%get3A_29, %get3A_30] : memref<128x128xf32, #tpu.memory_space<vmem>>, vector<128x128xf32>
    %dot_general3A_32 = arith.constant dense<0.000000e+00> : vector<2000x128xf32>
    %dot_general3A_33 = tpu.matmul %mul3A_12, %get3A_31, %dot_general3A_32 {dimension_numbers = #tpu.dot_dimension_numbers<[1], [0], [0], [1], [0, 0, 1, 1], [], []>, transpose_lhs_hint = false} : vector<2000x128xf32>, vector<128x128xf32>, vector<2000x128xf32> -> vector<2000x128xf32>
    %add3A_34 = arith.addf %add3A_28, %dot_general3A_33 : vector<2000x128xf32>
    %get3A_35 = arith.constant 0 : index
    %get3A_36 = arith.constant 0 : index
    %get3A_37 = vector.load %arg9[%get3A_35, %get3A_36] : memref<1x128xf32, #tpu.memory_space<vmem>>, vector<1x128xf32>
    %add3A_38 = vector.broadcast %get3A_37 : vector<1x128xf32> to vector<2000x128xf32>
    %add3A_39 = arith.addf %add3A_34, %add3A_38 : vector<2000x128xf32>
    %swap3A = arith.constant 0 : index
    %swap3A_40 = arith.constant 0 : index
    %swap3A_41 = vector.load %arg10[%swap3A, %swap3A_40] : memref<2000x128xf32, #tpu.memory_space<vmem>>, vector<2000x128xf32>
    tpu.vector_store %arg10[%swap3A, %swap3A_40], %add3A_39 {strides = array<i32>} : memref<2000x128xf32, #tpu.memory_space<vmem>>, vector<2000x128xf32>,
    return
  }
  func.func @transform_0(%arg0: i32) -> (i32, i32, i32) {
    %c0_i32 = arith.constant 0 : i32
    %c0_i32_0 = arith.constant 0 : i32
    %c0_i32_1 = arith.constant 0 : i32
    return %c0_i32, %arg0, %c0_i32_0 : i32, i32, i32
  }
  func.func @transform_1(%arg0: i32) -> (i32, i32, i32) {
    %c1_i32 = arith.constant 1 : i32
    %c0_i32 = arith.constant 0 : i32
    %c0_i32_0 = arith.constant 0 : i32
    return %c1_i32, %arg0, %c0_i32 : i32, i32, i32
  }
  func.func @transform_2(%arg0: i32) -> (i32, i32) {
    %c0_i32 = arith.constant 0 : i32
    %c0_i32_0 = arith.constant 0 : i32
    return %arg0, %c0_i32 : i32, i32
  }
  func.func @transform_3(%arg0: i32) -> (i32, i32) {
    %c0_i32 = arith.constant 0 : i32
    %c0_i32_0 = arith.constant 0 : i32
    return %arg0, %c0_i32 : i32, i32
  }
  func.func @transform_4(%arg0: i32) -> (i32, i32) {
    %c0_i32 = arith.constant 0 : i32
    %c0_i32_0 = arith.constant 0 : i32
    return %arg0, %c0_i32 : i32, i32
  }
  func.func @transform_5(%arg0: i32) -> (i32, i32) {
    %c0_i32 = arith.constant 0 : i32
    %c0_i32_0 = arith.constant 0 : i32
    %c0_i32_1 = arith.constant 0 : i32
    return %c0_i32, %c0_i32_0 : i32, i32
  }
  func.func @transform_6(%arg0: i32) -> (i32, i32) {
    %c0_i32 = arith.constant 0 : i32
    %c0_i32_0 = arith.constant 0 : i32
    %c0_i32_1 = arith.constant 0 : i32
    return %c0_i32, %c0_i32_0 : i32, i32
  }
  func.func @transform_7(%arg0: i32) -> (i32, i32) {
    %c0_i32 = arith.constant 0 : i32
    %c0_i32_0 = arith.constant 0 : i32
    %c0_i32_1 = arith.constant 0 : i32
    return %c0_i32, %c0_i32_0 : i32, i32
  }
  func.func @transform_8(%arg0: i32) -> (i32, i32) {
    %c0_i32 = arith.constant 0 : i32
    %c0_i32_0 = arith.constant 0 : i32
    %c0_i32_1 = arith.constant 0 : i32
    return %c0_i32, %c0_i32_0 : i32, i32
  }
  func.func @transform_9(%arg0: i32) -> (i32, i32) {
    %c0_i32 = arith.constant 0 : i32
    %c0_i32_0 = arith.constant 0 : i32
    return %arg0, %c0_i32 : i32, i32
  }
}

</mosaic_0001>

<sc_bundles>
// kernel: kernel.12.cloned.1.call-start
scs
__scs_entry_jumppad:
0x0: {  	(pc) =	sbr.rel $0x88, $3  }
0x1: {  	(tag) =	ssettag $0x0;
	lr =	simm.s32 $0x1  }
0x2: {  	[smem:$0x3F9D] =	sst lr;
	_ =	strace $0xD0000000  }
0x3: {  	_ = 	snop  }
0x4: {  	_ = 	snop  }
0x5: {  	_ = 	snop  }
0x6: {  	_ = 	snop  }
0x7: {  	_ = 	snop  }
__scs_overlays_trampoline_lowered:
0x8: {  	[smem:$0x3FAC] =	sst s0  }
0x9: {  	[smem:$0x3FAD] =	sst s1  }
0xa: {  	[smem:$0x3FAE] =	sst s2  }
0xb: {  	[smem:$0x3FAF] =	sst s3  }
0xc: {  	[smem:$0x3FB0] =	sst s4  }
0xd: {  	[smem:$0x3FB1] =	sst s5  }
0xe: {  	[smem:$0x3FB2] =	sst s6  }
0xf: {  	[smem:$0x3FB3] =	sst s7  }
0x10: {  	[smem:$0x3FB4] =	sst s8  }
0x11: {  	[smem:$0x3FB5] =	sst s9;
	s0 =	simm.s32 @!p0 $0x0  }
0x12: {  	s1 =	sld [smem:$0x3F9B];
	s0 =	simm.s32 @p0 $0x1  }
0x13: {  	[smem:$0x3FB6] =	sst s0;
	s0 =	simm.s32 @!p1 $0x0  }
0x14: {  	s2 =	sld [smem:$0x3F9A];
	s0 =	simm.s32 @p1 $0x1  }
0x15: {  	[smem:$0x3FB7] =	sst s0;
	s0 =	simm.s32 @!p2 $0x0  }
0x16: {  	s3 =	sld [smem:$0x3FDB];
	s0 =	simm.s32 @p2 $0x1  }
0x17: {  	s4 =	simm.s32 $0x1BF5;
	[smem:$0x3FB9] =	sst s0  }
0x18: {  	s0 =	sld [smem:$0x3F9C];
	_ =	swait.ge [sflag:s4], $0x0  }
0x19: {  	s7 =	sld [smem:$0x3F9D]  }
0x1a: {  	s8 =	sadd.s32 $0xFFFFE003, lr  }
0x1b: {  	s9 =	sadd.s32 $0xFFFFFEF7, lr;
	s5 =	simm.s32 $0xFFFFFFFF;
	p2 =	slt.u32 s8, $0xFFFFF086  }
0x1c: {  	p1 =	slt.u32 s9, $0xF7A;
	s5 =	simm.s32 @!p2 $0x0  }
0x1d: {  	s5 =	simm.s32 @p1 $0x1;
	p0 =	seq.s32 s7, s2  }
0x1e: {  	s7 =	smul.u32 @!p0 $0xF7A, s2;
	p2 =	seq.s32 @!p0 s5, $0x0  }
0x1f: {  	s9 =	smul.u32 $0xF7A, s1;
	s8 =	simm.s32 @!p0 $0x1BF5;
	p2 =	por !p2, p0  }
0x20: {  	[sflag:s8] =	ssyncset.s32 @!p0 $0xFFFFF086;
	s6 =	sadd.s32 @!p0 s3, s7;
	s7 =	simm.s32 @!p0 $0x108  }
0x21: {  	s3 =	sadd.s32 s3, s9;
	s6 =	sadd.s32 @!p0 $0x88, s6;
	s7 =	simm.s32 @p2 $0x1082  }
0x22: {  	[simem:s7], [sflag:s8] =	dma.local @!p0 [hbm:s6], $0xF7A  }
0x23: {  	s9 =	sor.u32 $0xD0000000, s2;
	s6 =	simm.s32 $0x108;
	_ =	swait.ge @!p0 [sflag:s8], $0x0  }
0x24: {  	s3 =	sadd.s32 $0x88, s3;
	s6 =	simm.s32 @!p1 $0x1082;
	[sflag:s4] =	ssyncset.s32 $0xFFFFF086  }
0x25: {  	[simem:s6], [sflag:s4] =	dma.local [hbm:s3], $0xF7A  }
0x26: {  	[smem:$0x3F9D] =	sst s1;
	(tag) =	ssettag s2;
	_ =	strace s9  }
0x27: {  	s1 =	sld [smem:$0x3FAD]  }
0x28: {  	s2 =	sld [smem:$0x3FAE]  }
0x29: {  	s4 =	sld [smem:$0x3FB0]  }
0x2a: {  	p0 =	seq.s32 s5, $0x0;
	s5 =	sld [smem:$0x3FB1]  }
0x2b: {  	s6 =	sld [smem:$0x3FB2]  }
0x2c: {  	s7 =	sld [smem:$0x3FB3]  }
0x2d: {  	s3 =	simm.s32 $0x108;
	s8 =	sld [smem:$0x3FB4]  }
0x2e: {  	s3 =	simm.s32 @!p0 $0x1082;
	s9 =	sld [smem:$0x3FB5]  }
0x2f: {  	lr =	sadd.s32 s0, s3;
	s0 =	sld [smem:$0x3FAC]  }
0x30: {  	s3 =	sld [smem:$0x3FAF]  }
0x31: {  	[smem:$0x3FB8] =	sst s10  }
0x32: {  	s10 =	sld [smem:$0x3FB6];
	_ =	sdelay $0x3  }
0x33: {  	p0 =	seq.s32 s10, $0x1;
	s10 =	sld [smem:$0x3FB8];
	_ =	sdelay $0x3  }
0x34: {  	[smem:$0x3FB8] =	sst s10  }
0x35: {  	s10 =	sld [smem:$0x3FB7];
	_ =	sdelay $0x3  }
0x36: {  	p1 =	seq.s32 s10, $0x1;
	s10 =	sld [smem:$0x3FB8];
	_ =	sdelay $0x3  }
0x37: {  	[smem:$0x3FB8] =	sst s10  }
0x38: {  	s10 =	sld [smem:$0x3FB9]  }
0x39: {  	_ = 	snop;
	(pc) =	sbr.ind lr, $3  }
0x3a: {  	_ = 	snop  }
0x3b: {  	_ = 	snop  }
0x3c: {  	p2 =	seq.s32 s10, $0x1;
	s10 =	sld [smem:$0x3FB8]  }
0x3d: {  	_ =	shalt  }
0x3e: {  	_ =	shalt  }
0x3f: {  	_ =	shalt  }
0x40: {  	_ =	shalt  }
0x41: {  	_ =	shalt  }
0x42: {  	_ =	shalt  }
0x43: {  	_ =	shalt  }
0x44: {  	_ =	shalt  }
0x45: {  	_ =	shalt  }
0x46: {  	_ =	shalt  }
0x47: {  	_ =	shalt  }
0x48: {  	_ =	shalt  }
0x49: {  	_ =	shalt  }
0x4a: {  	_ =	shalt  }
0x4b: {  	_ =	shalt  }
0x4c: {  	_ =	shalt  }
0x4d: {  	_ =	shalt  }
0x4e: {  	_ =	shalt  }
0x4f: {  	_ =	shalt  }
0x50: {  	_ =	shalt  }
0x51: {  	_ =	shalt  }
0x52: {  	_ =	shalt  }
0x53: {  	_ =	shalt  }
0x54: {  	_ =	shalt  }
0x55: {  	_ =	shalt  }
0x56: {  	_ =	shalt  }
0x57: {  	_ =	shalt  }
0x58: {  	_ =	shalt  }
0x59: {  	_ =	shalt  }
0x5a: {  	_ =	shalt  }
0x5b: {  	_ =	shalt  }
0x5c: {  	_ =	shalt  }
0x5d: {  	_ =	shalt  }
0x5e: {  	_ =	shalt  }
0x5f: {  	_ =	shalt  }
0x60: {  	_ =	shalt  }
0x61: {  	_ =	shalt  }
0x62: {  	_ =	shalt  }
0x63: {  	_ =	shalt  }
0x64: {  	_ =	shalt  }
0x65: {  	_ =	shalt  }
0x66: {  	_ =	shalt  }
0x67: {  	_ =	shalt  }
0x68: {  	_ =	shalt  }
0x69: {  	_ =	shalt  }
0x6a: {  	_ =	shalt  }
0x6b: {  	_ =	shalt  }
0x6c: {  	_ =	shalt  }
0x6d: {  	_ =	shalt  }
0x6e: {  	_ =	shalt  }
0x6f: {  	_ =	shalt  }
0x70: {  	_ =	shalt  }
0x71: {  	_ =	shalt  }
0x72: {  	_ =	shalt  }
0x73: {  	_ =	shalt  }
0x74: {  	_ =	shalt  }
0x75: {  	_ =	shalt  }
0x76: {  	_ =	shalt  }
0x77: {  	_ =	shalt  }
0x78: {  	_ =	shalt  }
0x79: {  	_ =	shalt  }
0x7a: {  	_ =	shalt  }
0x7b: {  	_ =	shalt  }
0x7c: {  	_ =	shalt  }
0x7d: {  	_ =	shalt  }
0x7e: {  	_ =	shalt  }
0x7f: {  	_ =	shalt  }
0x80: {  	_ =	shalt  }
0x81: {  	_ =	shalt  }
0x82: {  	_ =	shalt  }
0x83: {  	_ =	shalt  }
0x84: {  	_ =	shalt  }
0x85: {  	_ =	shalt  }
0x86: {  	_ =	shalt  }
0x87: {  	_ =	shalt  }
.Lfunc_end0:
.L_simem_size_0:
called_computation.1_lowered:
.L_overlay_start_0:
0x88: {  	s2 =	sld [smem:$0x3FD9]  }
0x89: {  	s3 =	sld [smem:$0x3FFE];
	_ =	sdelay $0x1  }
0x8a: {  	s1 =	srdreg.scid  }
0x8b: {  	s0 =	sand.u32 $0x1, s1  }
0x8c: {  	s17 =	sshll.u32 s0, $0xA;
	s2 =	sadd.s32 s3, s2  }
0x8d: {  	s2 =	sadd.s32 s2, s17  }
0x8e: {  	[smem:$0x3FC4] =	sst s2  }
0x8f: {  	_ = 	snop  }
0x90: {  	s2 =	sld [smem:$0x3FD0];
	(tm) =	ssettm $0x1  }
0x91: {  	s18 =	sld [smem:$0x3FFB];
	_ =	sdelay $0x3  }
0x92: {  	_ =	strace s18  }
0x93: {  	s3 =	sld [smem:$0x3FFC];
	_ =	sdelay $0x3  }
0x94: {  	_ =	strace s3  }
0x95: {  	s3 =	sld [smem:$0x3FFD];
	_ =	sdelay $0x3  }
0x96: {  	_ =	strace s3  }
0x97: {  	_ =	strace $0x8FFFFFFF  }
0x98: {  	s19 =	sld [smem:$0x3FDB];
	_ =	sdelay $0x1  }
0x99: {  	s4 =	simm.s32 $_scs_section_size  }
0x9a: {  	s5 =	simm.s32 $_size__tile_overlayer_lowered;
	s6 =	simm.s32 $_tile_overlayer_lowered  }
0x9b: {  	s22 =	simm.s32 $0x1BFF;
	s21 =	sshll.u32 s6, $0x1;
	s3 =	sadd.s32 s4, s19  }
0x9c: {  	s7 =	simm.s32 $0x0;
	s20 =	sshll.u32 s5, $0x1;
	s5 =	sadd.s32 s21, s3  }
0x9d: {  	[timem:s7], [sflag:s22] =	dma.local [hbm:s5], s20  }
0x9e: {  	_ =	swait.ge [sflag:s22], s20  }
0x9f: {  	s4 =	ssub.s32 $0x0, s20;
	[sflag:s22] =	ssyncset.done $0x0  }
0xa0: {  	[sflag:s22] =	ssyncadd.s32 s4;
	_ =	sdelay $0x1  }
0xa1: {  	s23 =	simm.s32 $0x1B8B  }
0xa2: {  	_ =	swait.ge [sflag:s23], $0x1  }
0xa3: {  	[sflag:s23] =	ssyncset.done $0x0  }
0xa4: {  	s25 =	simm.s32 $0x1B8E;
	s24 =	sld [smem:$0x3FFE];
	[sflag:s23] =	ssyncadd.s32 $0xFFFFFFFF  }
0xa5: {  	s26 =	simm.s32 $execute0_lowered;
	[smem:$0x3FD2] =	sst s25  }
0xa6: {  	s5 =	sshll.u32 s26, $0x1;
	_ =	strace $0x80000049;
	[dreg:$0x1] =	wrdreg $0xFFFFFFFF  }
0xa7: {  	s28 =	simm.s32 $_size_execute0_lowered;
	s3 =	sadd.s32 s3, s5;
	[dreg:$0x0] =	wrdreg $0x0  }
0xa8: {  	s5 =	sshll.u32 s28, $0x1;
	[dreg:$0x2] =	wrdreg s3  }
0xa9: {  	[dreg:$0x3] =	wrdreg s5  }
0xaa: {  	[dreg:$0x4] =	wrdreg $0xC0  }
0xab: {  	_ =	task [dreg:s7], $0x5FFFF  }
0xac: {  	[dreg:$0x1] =	wrdreg $0xFFFFFFFF  }
0xad: {  	[dreg:$0x0] =	wrdreg $0x60  }
0xae: {  	[dreg:$0x2] =	wrdreg s2  }
0xaf: {  	[dreg:$0x3] =	wrdreg s24  }
0xb0: {  	[dreg:$0x4] =	wrdreg $0xB8000  }
0xb1: {  	[dreg:$0x5] =	wrdreg $0x9  }
0xb2: {  	_ =	task.clear_ibuf [dreg:s7], $0x6FFFF;
	_ =	strace $0x90000049  }
0xb3: {  	s29 =	simm.s32 $0x9;
	_ =	strace $0x8000004B  }
0xb4: {  	_ =	swait.ge [sflag:s29], $0x1  }
0xb5: {  	[sflag:s29] =	ssyncadd.s32 $0xFFFFFFFF  }
0xb6: {  	_ =	strace $0x9000004B  }
0xb7: {  	_ =	sfence  }
0xb8: {  	s30 =	sld [smem:$0x0];
	_ =	sdelay $0x2  }
0xb9: {  	s31 =	sshll.u32 s1, $0xD;
	s1 =	sshrl.u32 s1, $0x2  }
0xba: {  	s3 =	sand.u32 $0x4000, s31;
	s1 =	sadd.s32 s1, s30  }
0xbb: {  	s0 =	sor.u32 s3, s0;
	s1 =	sshll.u32 s1, $0x11  }
0xbc: {  	s0 =	sor.u32 s1, s0  }
0xbd: {  	s0 =	sadd.s32 $0x8F2B, s0  }
0xbe: {  	[sflag:s0] =	ssyncadd.remote.s32 $0x1  }
0xbf: {  	_ =	sfence.sel $0xFFFF  }
0xc0: {  	[dreg:$0x0] =	wrdreg $0xFFFFFFFF;
	(pc) =	sbr.abs _section_cstart, $3  }
0xc1: {  	[dreg:$0x1] =	wrdreg $0xFFFFFFFF  }
0xc2: {  	_ =	task.clear_ibuf [dreg:s7], $0x2FFFF;
	_ =	strace $0x9FFFFFFF  }
0xc3: {  	(tm) =	ssettm $0x7FFFFFFF  }
tec
execute0_lowered:
.L_overlay_start_1:
0x0: {  	(tag) =	ssettag $0x1  }
0x1: {  	s1 =	rddreg [dreg:$0x0]  }
0x2: {  	s0 =	rddreg [dreg:$0x1]  }
0x3: {  	s2 =	rddreg [dreg:$0x2];
	s3 =	simm.s32 $0x0  }
0x4: {  	s5 =	srdreg.scid;
	s24 =	stileid.u32;
	s16 =	simm.s32 $0x9  }
0x5: {  	s20 =	simm.s32 $0x70;
	s28 =	simm.s32 $0x8;
	s29 =	simm.s32 $0x100  }
0x6: {  	s30 =	simm.s32 $0x8000;
	s31 =	simm.s32 $0x0;
	[smem:$0x7FF] =	sst s3  }
0x7: {  	s4 =	sadd.s32 $0xC400, s0;
	s6 =	sadd.s32 $0x1E400, s0;
	s7 =	sadd.s32 $0x2000, s0  }
0x8: {  	s5 =	sand.u32 $0x1, s5;
	s10 =	smul.u32 $0x50000, s24;
	s26 =	sshll.u32 s24, $0x6  }
0x9: {  	s17 =	smul.u32 $0x2800, s24;
	_ =	strace $0x8000004A;
	[dreg:$0x4] =	wrdreg s7  }
0xa: {  	s8 =	smul.u32 $0x28000, s5;
	s9 =	sshll.u32 s5, $0x4;
	s5 =	ssub.s32 $0x2, s5  }
0xb: {  	s9 =	sor.u32 s24, s9;
	s11 =	sshrl.u32 s5, $0x1;
	s25 =	sshrl.u32 s10, $0x2  }
0xc: {  	s0 =	sadd.s32 s8, s0;
	s8 =	smul.u32 $0x4800, s9;
	s5 =	ssub.s32 s5, s11  }
.Ltmp0:
0xd: {  	s15 =	sadd.s32 s25, s2;
	s9 =	sor.u32 $0x1C09, s26;
	(pc) =	sbr.rel .LBB2_1-.Ltmp0, $4  }
0xe: {  	s25 =	simm.s32 $0x6;
	s26 =	simm.s32 $0x7;
	s0 =	sadd.s32 $0x30400, s0  }
0xf: {  	s14 =	smax.u32 s5, $0x1;
	s15 =	sshrl.u32 s15, $0x3;
	s12 =	sshrl.u32 s8, $0x3  }
0x10: {  	s24 =	sadd.s32 s17, s0;
	s10 =	sadd.s32 s4, s12;
	s13 =	sor.u32 $0x80, s12  }
0x11: {  	s11 =	sadd.s32 s6, s12;
	s12 =	sadd.s32 s4, s13;
	s13 =	sadd.s32 s6, s13  }
.LBB2_10:
0x12: {  	_ =	swait.ge [sflag:s25], $0x3800  }
0x13: {  	[sflag:s25] =	ssyncset.done $0x0  }
0x14: {  	[sflag:s25] =	ssyncadd.s32 $0xFFFFC800  }
0x15: {  	_ =	swait.ge [sflag:s26], $0x3800  }
0x16: {  	[sflag:s26] =	ssyncset.done $0x0  }
0x17: {  	[sflag:s26] =	ssyncadd.s32 $0xFFFFC800  }
0x18: {  	_ =	swait.ge [sflag:s28], $0x3800  }
0x19: {  	s31 =	sadd.s32 $0x1, s31;
	[sflag:s28] =	ssyncset.done $0x0  }
0x1a: {  	p0 =	sne.s32 s31, s14;
	[sflag:s28] =	ssyncadd.s32 $0xFFFFC800  }
.Ltmp1:
0x1b: {  	[bflag:$0x0] =	sbarrier.arrive $0xFFFF;
	(pc) =	sbr.rel @!p0 .LBB2_11-.Ltmp1, $4  }
0x1c: {  	[hbm:s24], [sflag:s9] =	dma.local [spmem:s15], $0x2800  }
0x1d: {  	_ =	swait.ge [sflag:s16], $0x2800  }
0x1e: {  	[sflag:s16] =	ssyncset.done $0x0  }
0x1f: {  	[sflag:s16] =	ssyncadd.s32 $0xFFFFD800  }
.LBB2_1:
0x20: {  	s0 =	rddreg [dreg:$0x4]  }
0x21: {  	[spmem:s15], [sflag:s9] =	dma.local [hbm:s0], $0x2800  }
0x22: {  	_ =	swait.ge [sflag:s16], $0x2800  }
0x23: {  	[sflag:s16] =	ssyncset.done $0x0  }
0x24: {  	[sflag:s16] =	ssyncadd.s32 $0xFFFFD800  }
0x25: {  	[tilespmem:s3], [sflag:$0x9] =	stream.linear.gather [hbm4b:s10+s3], $0x280, $0x38;
	[tilespmem:$0x1F800] =	vst v63  }
0x26: {  	_ =	swait.ge [sflag:s16], $0x280  }
0x27: {  	[sflag:s16] =	ssyncset.done $0x0  }
0x28: {  	s18 =	simm.s32 $0x800;
	[sflag:s16] =	ssyncadd.s32 $0xFFFFFD80  }
0x29: {  	[tilespmem:s18], [sflag:$0x9] =	stream.linear.gather [hbm4b:s11+s3], $0x280, $0x38;
	[tilespmem:$0x1F800] =	vst v63  }
0x2a: {  	_ =	swait.ge [sflag:s16], $0x280  }
0x2b: {  	[sflag:s16] =	ssyncset.done $0x0  }
0x2c: {  	s19 =	simm.s32 $0x400;
	[sflag:s16] =	ssyncadd.s32 $0xFFFFFD80  }
0x2d: {  	[tilespmem:s19], [sflag:$0x2] =	stream.linear.gather [hbm4b:s12+s3], $0x280, $0x38;
	[tilespmem:$0x1F800] =	vst v63  }
0x2e: {  	s21 =	simm.s32 $0xC00  }
0x2f: {  	[tilespmem:s21], [sflag:$0x2] =	stream.linear.gather [hbm4b:s13+s3], $0x280, $0x38;
	[tilespmem:$0x1F800] =	vst v63  }
0x30: {  	s22 =	simm.s32 $0x1000;
	[bflag:$0x0] =	sbarrier.arrive $0xFFFF  }
0x31: {  	[tilespmem:s22], [sflag:$0x3] =	stream.indirect.gather [hbm4b:s1+s20], $0x80, s3, s20, $0xb8;
	[tilespmem:$0x1F800] =	vst v63  }
0x32: {  	s23 =	simm.s32 $0x80;
	s5 =	simm.s32 $0x4800;
	s0 =	simm.s32 $0x0  }
0x33: {  	[tilespmem:s5], [sflag:$0x4] =	stream.indirect.gather [hbm4b:s1+s20], $0x80, s23, s20, $0xb8;
	[tilespmem:$0x1F800] =	vst v63  }
.LBB2_2:
0x34: {  	s5 =	smul.u32 $0xAB, s0;
	_ =	sdelay $0x1  }
0x35: {  	s18 =	smul.u32 $0xCD, s0;
	s5 =	sshrl.u32 s5, $0x9  }
0x36: {  	s5 =	sand.u32 $0x7F, s5  }
0x37: {  	s22 =	sshrl.u32 s18, $0xA;
	s17 =	smul.u32 $0x3, s5  }
0x38: {  	s5 =	sand.u32 $0x3F, s22  }
0x39: {  	s19 =	smul.u32 $0x5, s5;
	s17 =	ssub.s32 s0, s17  }
0x3a: {  	s21 =	sand.u32 $0xFF, s17  }
0x3b: {  	p0 =	sgt.u32 s0, $0x54;
	s17 =	ssub.s32 s0, s19;
	s22 =	smul.u32 $0xE000, s21  }
0x3c: {  	s18 =	sand.u32 $0x400, s18;
	s19 =	sand.u32 $0xEF, s17;
	s23 =	sadd.s32 $0x3, s21  }
0x3d: {  	_ =	swait.ge [sflag:s23], $0x3800;
	s19 =	sshll.u32 s19, $0x7;
	s22 =	sshrl.u32 s22, $0x2  }
0x3e: {  	[sflag:s23] =	ssyncset.done $0x0;
	s18 =	sor.u32 s19, s18;
	s22 =	sadd.s32 $0x1000, s22  }
0x3f: {  	[sflag:s23] =	ssyncadd.s32 $0xFFFFC800;
	s18 =	sor.u32 $0x800, s18;
	s23 =	sadd.s32 $0x6, s21  }
0x40: {  	[spmem:s2] =	stream.indirect.scatter.add.f32 [tilespmem:s22], [sflag:s23], $0x80, s18, s20, $0xb8;
	[tilespmem:$0x1F800] =	vst v63  }
0x41: {  	s18 =	sand.u32 @!p0 $0xFF, s17  }
0x42: {  	p1 =	sne.s32 @!p0 s18, $0x3  }
0x43: {  	p0 =	por p0, p1  }
.Ltmp2:
0x44: {  	_ = 	snop;
	(pc) =	sbr.rel @p0 .LBB2_4-.Ltmp2, $2  }
0x45: {  	_ =	sdelay $0x2  }
0x46: {  	s18 =	sadd.s32 $0x1, s5  }
0x47: {  	s19 =	sand.u32 $0x1, s18  }
0x48: {  	s19 =	sadd.s32 $0x1, s19  }
0x49: {  	_ =	swait.ge [sflag:s19], $0x280  }
0x4a: {  	[sflag:s19] =	ssyncset.done $0x0  }
0x4b: {  	[sflag:s19] =	ssyncadd.s32 $0xFFFFFD80  }
0x4c: {  	_ =	swait.ge [sflag:s19], $0x280  }
0x4d: {  	[sflag:s19] =	ssyncset.done $0x0  }
0x4e: {  	[sflag:s19] =	ssyncadd.s32 $0xFFFFFD80  }
.LBB2_5:
0x4f: {  	s19 =	sadd.s32 $0x2, s0  }
0x50: {  	s21 =	sand.u32 $0xFF, s19  }
0x51: {  	s22 =	smul.u32 $0xAB, s21  }
0x52: {  	s21 =	smul.u32 $0xCD, s21  }
0x53: {  	s22 =	sshrl.u32 s22, $0x9  }
0x54: {  	s7 =	sshrl.u32 s21, $0xA;
	s22 =	smul.u32 $0x3, s22  }
0x55: {  	s7 =	smul.u32 $0x5, s7  }
0x56: {  	s22 =	ssub.s32 s19, s22  }
0x57: {  	s7 =	ssub.s32 s19, s7;
	s22 =	sand.u32 $0xFF, s22  }
0x58: {  	s7 =	sand.u32 $0xFF, s7;
	s23 =	smul.u32 $0xE000, s22;
	s19 =	sadd.s32 $0x6, s22  }
0x59: {  	s21 =	sand.u32 $0x400, s21;
	s7 =	sshll.u32 s7, $0x7;
	_ =	swait.ge [sflag:s19], $0x3800  }
0x5a: {  	s22 =	sadd.s32 $0x3, s22;
	s23 =	sshrl.u32 s23, $0x2;
	[sflag:s19] =	ssyncset.done $0x0  }
0x5b: {  	s7 =	sor.u32 s7, s21;
	s23 =	sadd.s32 $0x1000, s23;
	[sflag:s19] =	ssyncadd.s32 $0xFFFFC800  }
0x5c: {  	[tilespmem:s23], [sflag:s22] =	stream.indirect.gather [hbm4b:s1+s20], $0x80, s7, s20, $0xb8;
	[tilespmem:$0x1F800] =	vst v63  }
.LBB2_6:
0x5d: {  	s7 =	sand.u32 $0xFF, s17  }
0x5e: {  	s5 =	sadd.s32 $0xFFFFFFFF, s5;
	p0 =	sne.s32 s7, $0x0  }
0x5f: {  	p1 =	sgt.u32 @!p0 s5, $0xF  }
0x60: {  	p0 =	por p1, p0  }
0x61: {  	s5 =	sshll.u32 @!p0 s18, $0xA  }
0x62: {  	s5 =	sadd.s32 @!p0 s8, s5  }
0x63: {  	s7 =	sand.u32 @!p0 $0x1, s18;
	s19 =	simm.s32 @!p0 $0x0;
	s5 =	sshrl.u32 @!p0 s5, $0x3  }
0x64: {  	s17 =	sadd.s32 @!p0 $0x1, s7;
	s7 =	sshll.u32 @!p0 s7, $0xA;
	s18 =	sadd.s32 @!p0 s4, s5  }
0x65: {  	[tilespmem:s7], [sflag:s17] =	stream.linear.gather @!p0 [hbm4b:s18+s19], $0x280, $0x38;
	[tilespmem:$0x1F800] =	vst v63  }
0x66: {  	s5 =	sadd.s32 @!p0 s6, s5;
	s7 =	sor.u32 @!p0 $0x800, s7  }
0x67: {  	[tilespmem:s7], [sflag:s17] =	stream.linear.gather @!p0 [hbm4b:s5+s19], $0x280, $0x38;
	[tilespmem:$0x1F800] =	vst v63  }
.LBB2_9:
0x68: {  	s0 =	sadd.s32 $0x1, s0  }
0x69: {  	p0 =	sne.s32 s0, $0x5A  }
.Ltmp3:
0x6a: {  	_ = 	snop;
	(pc) =	sbr.rel @p0 .LBB2_2-.Ltmp3, $4  }
.Ltmp4:
0x6b: {  	_ = 	snop;
	(pc) =	sbr.rel @!p0 .LBB2_10-.Ltmp4, $4  }
0x6c: {  	_ = 	snop  }
0x6d: {  	_ = 	snop  }
0x6e: {  	_ = 	snop  }
0x6f: {  	_ = 	snop  }
.LBB2_4:
0x70: {  	s19 =	sadd.s32 $0xFFFFFFFF, s0  }
0x71: {  	p0 =	sgt.u32 s19, $0x56  }
.Ltmp5:
0x72: {  	_ = 	snop;
	(pc) =	sbr.rel @!p0 .LBB2_5-.Ltmp5, $1  }
0x73: {  	_ =	sdelay $0x3  }
0x74: {  	p0 =	sne.s32 s0, $0x0  }
.Ltmp6:
0x75: {  	_ = 	snop;
	(pc) =	sbr.rel @p0 .LBB2_6-.Ltmp6, $1  }
0x76: {  	_ =	sdelay $0x3  }
.Ltmp7:
0x77: {  	(pc) =	sbr.rel .LBB2_9-.Ltmp7, $2  }
0x78: {  	_ =	sdelay $0x2  }
0x79: {  	[tilespmem:s30], [sflag:$0x5] =	stream.indirect.gather [hbm4b:s1+s20], $0x80, s29, s20, $0xb8;
	[tilespmem:$0x1F800] =	vst v63  }
.LBB2_11:
0x7a: {  	_ =	sfence.sel $0x180000  }
0x7b: {  	[bflag:$0x0] =	sbarrier.arrive $0xFFFF  }
0x7c: {  	_ =	strace $0x9000004A  }
0x7d: {  	s0 =	stileid.u32;
	[bflag:$0x2] =	sbarrier.arrive $0xFFFF  }
0x7e: {  	p0 =	sne.s32 s0, $0x0;
	s0 =	rddreg [dreg:$0x3]  }
0x7f: {  	s0 =	sadd.s32 @!p0 $0x100000, s0  }
0x80: {  	[sflag:s0] =	ssyncadd.tile.s32 @!p0 $0x1;
	_ =	shalt  }
.Lfunc_end2:
_tile_overlayer_lowered:
.L_overlay_start_2:
0x81: {  	(tag) =	ssettag $0x2  }
0x82: {  	s0 =	rddreg [dreg:$0x0];
	s2 =	stileid.u32  }
0x83: {  	s1 =	rddreg [dreg:$0x1];
	p0 =	sne.s32 s2, $0x0  }
0x84: {  	s3 =	rddreg [dreg:$0x2];
	[bflag:$0x3] =	sbarrier.arrive $0xFFFF;
	s2 =	simm.s32 @!p0 $0x1C09  }
0x85: {  	[timem:s3], [sflag:s2] =	dma.local @!p0 [hbm:s0], s1  }
0x86: {  	s0 =	simm.s32 @!p0 $0x9  }
0x87: {  	_ =	swait.ge @!p0 [sflag:s0], s1  }
0x88: {  	s1 =	ssub.s32 @!p0 $0x0, s1;
	[sflag:s0] =	ssyncset.done @!p0 $0x0  }
0x89: {  	[sflag:s0] =	ssyncadd.s32 @!p0 s1  }
0x8a: {  	[bflag:$0x3] =	sbarrier.arrive $0xFFFF  }
0x8b: {  	_ =	shalt  }

// kernel: kernel.15.cloned.1.call-start
scs
__scs_entry_jumppad:
0x0: {  	(pc) =	sbr.rel $0x88, $3  }
0x1: {  	(tag) =	ssettag $0x0;
	lr =	simm.s32 $0x1  }
0x2: {  	[smem:$0x3F9D] =	sst lr;
	_ =	strace $0xD0000000  }
0x3: {  	_ = 	snop  }
0x4: {  	_ = 	snop  }
0x5: {  	_ = 	snop  }
0x6: {  	_ = 	snop  }
0x7: {  	_ = 	snop  }
__scs_overlays_trampoline_lowered:
0x8: {  	[smem:$0x3FAC] =	sst s0  }
0x9: {  	[smem:$0x3FAD] =	sst s1  }
0xa: {  	[smem:$0x3FAE] =	sst s2  }
0xb: {  	[smem:$0x3FAF] =	sst s3  }
0xc: {  	[smem:$0x3FB0] =	sst s4  }
0xd: {  	[smem:$0x3FB1] =	sst s5  }
0xe: {  	[smem:$0x3FB2] =	sst s6  }
0xf: {  	[smem:$0x3FB3] =	sst s7  }
0x10: {  	[smem:$0x3FB4] =	sst s8  }
0x11: {  	[smem:$0x3FB5] =	sst s9;
	s0 =	simm.s32 @!p0 $0x0  }
0x12: {  	s1 =	sld [smem:$0x3F9B];
	s0 =	simm.s32 @p0 $0x1  }
0x13: {  	[smem:$0x3FB6] =	sst s0;
	s0 =	simm.s32 @!p1 $0x0  }
0x14: {  	s2 =	sld [smem:$0x3F9A];
	s0 =	simm.s32 @p1 $0x1  }
0x15: {  	[smem:$0x3FB7] =	sst s0;
	s0 =	simm.s32 @!p2 $0x0  }
0x16: {  	s3 =	sld [smem:$0x3FDB];
	s0 =	simm.s32 @p2 $0x1  }
0x17: {  	s4 =	simm.s32 $0x1BF5;
	[smem:$0x3FB9] =	sst s0  }
0x18: {  	s0 =	sld [smem:$0x3F9C];
	_ =	swait.ge [sflag:s4], $0x0  }
0x19: {  	s7 =	sld [smem:$0x3F9D]  }
0x1a: {  	s8 =	sadd.s32 $0xFFFFE003, lr  }
0x1b: {  	s9 =	sadd.s32 $0xFFFFFEF7, lr;
	s5 =	simm.s32 $0xFFFFFFFF;
	p2 =	slt.u32 s8, $0xFFFFF086  }
0x1c: {  	p1 =	slt.u32 s9, $0xF7A;
	s5 =	simm.s32 @!p2 $0x0  }
0x1d: {  	s5 =	simm.s32 @p1 $0x1;
	p0 =	seq.s32 s7, s2  }
0x1e: {  	s7 =	smul.u32 @!p0 $0xF7A, s2;
	p2 =	seq.s32 @!p0 s5, $0x0  }
0x1f: {  	s9 =	smul.u32 $0xF7A, s1;
	s8 =	simm.s32 @!p0 $0x1BF5;
	p2 =	por !p2, p0  }
0x20: {  	[sflag:s8] =	ssyncset.s32 @!p0 $0xFFFFF086;
	s6 =	sadd.s32 @!p0 s3, s7;
	s7 =	simm.s32 @!p0 $0x108  }
0x21: {  	s3 =	sadd.s32 s3, s9;
	s6 =	sadd.s32 @!p0 $0x88, s6;
	s7 =	simm.s32 @p2 $0x1082  }
0x22: {  	[simem:s7], [sflag:s8] =	dma.local @!p0 [hbm:s6], $0xF7A  }
0x23: {  	s9 =	sor.u32 $0xD0000000, s2;
	s6 =	simm.s32 $0x108;
	_ =	swait.ge @!p0 [sflag:s8], $0x0  }
0x24: {  	s3 =	sadd.s32 $0x88, s3;
	s6 =	simm.s32 @!p1 $0x1082;
	[sflag:s4] =	ssyncset.s32 $0xFFFFF086  }
0x25: {  	[simem:s6], [sflag:s4] =	dma.local [hbm:s3], $0xF7A  }
0x26: {  	[smem:$0x3F9D] =	sst s1;
	(tag) =	ssettag s2;
	_ =	strace s9  }
0x27: {  	s1 =	sld [smem:$0x3FAD]  }
0x28: {  	s2 =	sld [smem:$0x3FAE]  }
0x29: {  	s4 =	sld [smem:$0x3FB0]  }
0x2a: {  	p0 =	seq.s32 s5, $0x0;
	s5 =	sld [smem:$0x3FB1]  }
0x2b: {  	s6 =	sld [smem:$0x3FB2]  }
0x2c: {  	s7 =	sld [smem:$0x3FB3]  }
0x2d: {  	s3 =	simm.s32 $0x108;
	s8 =	sld [smem:$0x3FB4]  }
0x2e: {  	s3 =	simm.s32 @!p0 $0x1082;
	s9 =	sld [smem:$0x3FB5]  }
0x2f: {  	lr =	sadd.s32 s0, s3;
	s0 =	sld [smem:$0x3FAC]  }
0x30: {  	s3 =	sld [smem:$0x3FAF]  }
0x31: {  	[smem:$0x3FB8] =	sst s10  }
0x32: {  	s10 =	sld [smem:$0x3FB6];
	_ =	sdelay $0x3  }
0x33: {  	p0 =	seq.s32 s10, $0x1;
	s10 =	sld [smem:$0x3FB8];
	_ =	sdelay $0x3  }
0x34: {  	[smem:$0x3FB8] =	sst s10  }
0x35: {  	s10 =	sld [smem:$0x3FB7];
	_ =	sdelay $0x3  }
0x36: {  	p1 =	seq.s32 s10, $0x1;
	s10 =	sld [smem:$0x3FB8];
	_ =	sdelay $0x3  }
0x37: {  	[smem:$0x3FB8] =	sst s10  }
0x38: {  	s10 =	sld [smem:$0x3FB9]  }
0x39: {  	_ = 	snop;
	(pc) =	sbr.ind lr, $3  }
0x3a: {  	_ = 	snop  }
0x3b: {  	_ = 	snop  }
0x3c: {  	p2 =	seq.s32 s10, $0x1;
	s10 =	sld [smem:$0x3FB8]  }
0x3d: {  	_ =	shalt  }
0x3e: {  	_ =	shalt  }
0x3f: {  	_ =	shalt  }
0x40: {  	_ =	shalt  }
0x41: {  	_ =	shalt  }
0x42: {  	_ =	shalt  }
0x43: {  	_ =	shalt  }
0x44: {  	_ =	shalt  }
0x45: {  	_ =	shalt  }
0x46: {  	_ =	shalt  }
0x47: {  	_ =	shalt  }
0x48: {  	_ =	shalt  }
0x49: {  	_ =	shalt  }
0x4a: {  	_ =	shalt  }
0x4b: {  	_ =	shalt  }
0x4c: {  	_ =	shalt  }
0x4d: {  	_ =	shalt  }
0x4e: {  	_ =	shalt  }
0x4f: {  	_ =	shalt  }
0x50: {  	_ =	shalt  }
0x51: {  	_ =	shalt  }
0x52: {  	_ =	shalt  }
0x53: {  	_ =	shalt  }
0x54: {  	_ =	shalt  }
0x55: {  	_ =	shalt  }
0x56: {  	_ =	shalt  }
0x57: {  	_ =	shalt  }
0x58: {  	_ =	shalt  }
0x59: {  	_ =	shalt  }
0x5a: {  	_ =	shalt  }
0x5b: {  	_ =	shalt  }
0x5c: {  	_ =	shalt  }
0x5d: {  	_ =	shalt  }
0x5e: {  	_ =	shalt  }
0x5f: {  	_ =	shalt  }
0x60: {  	_ =	shalt  }
0x61: {  	_ =	shalt  }
0x62: {  	_ =	shalt  }
0x63: {  	_ =	shalt  }
0x64: {  	_ =	shalt  }
0x65: {  	_ =	shalt  }
0x66: {  	_ =	shalt  }
0x67: {  	_ =	shalt  }
0x68: {  	_ =	shalt  }
0x69: {  	_ =	shalt  }
0x6a: {  	_ =	shalt  }
0x6b: {  	_ =	shalt  }
0x6c: {  	_ =	shalt  }
0x6d: {  	_ =	shalt  }
0x6e: {  	_ =	shalt  }
0x6f: {  	_ =	shalt  }
0x70: {  	_ =	shalt  }
0x71: {  	_ =	shalt  }
0x72: {  	_ =	shalt  }
0x73: {  	_ =	shalt  }
0x74: {  	_ =	shalt  }
0x75: {  	_ =	shalt  }
0x76: {  	_ =	shalt  }
0x77: {  	_ =	shalt  }
0x78: {  	_ =	shalt  }
0x79: {  	_ =	shalt  }
0x7a: {  	_ =	shalt  }
0x7b: {  	_ =	shalt  }
0x7c: {  	_ =	shalt  }
0x7d: {  	_ =	shalt  }
0x7e: {  	_ =	shalt  }
0x7f: {  	_ =	shalt  }
0x80: {  	_ =	shalt  }
0x81: {  	_ =	shalt  }
0x82: {  	_ =	shalt  }
0x83: {  	_ =	shalt  }
0x84: {  	_ =	shalt  }
0x85: {  	_ =	shalt  }
0x86: {  	_ =	shalt  }
0x87: {  	_ =	shalt  }
.Lfunc_end0:
.L_simem_size_0:
called_computation.2_lowered:
.L_overlay_start_0:
0x88: {  	s2 =	sld [smem:$0x3FD9]  }
0x89: {  	s3 =	sld [smem:$0x3FFE];
	_ =	sdelay $0x1  }
0x8a: {  	s1 =	srdreg.scid  }
0x8b: {  	s0 =	sand.u32 $0x1, s1  }
0x8c: {  	s17 =	sshll.u32 s0, $0xA;
	s2 =	sadd.s32 s3, s2  }
0x8d: {  	s2 =	sadd.s32 s2, s17  }
0x8e: {  	[smem:$0x3FC4] =	sst s2  }
0x8f: {  	_ = 	snop  }
0x90: {  	s2 =	sld [smem:$0x3FD0];
	(tm) =	ssettm $0x1  }
0x91: {  	s18 =	sld [smem:$0x3FFB];
	_ =	sdelay $0x3  }
0x92: {  	_ =	strace s18  }
0x93: {  	s3 =	sld [smem:$0x3FFC];
	_ =	sdelay $0x3  }
0x94: {  	_ =	strace s3  }
0x95: {  	s3 =	sld [smem:$0x3FFD];
	_ =	sdelay $0x3  }
0x96: {  	_ =	strace s3  }
0x97: {  	_ =	strace $0x8FFFFFFF  }
0x98: {  	s19 =	sld [smem:$0x3FDB];
	_ =	sdelay $0x1  }
0x99: {  	s4 =	simm.s32 $_scs_section_size  }
0x9a: {  	s5 =	simm.s32 $_size__tile_overlayer_lowered;
	s6 =	simm.s32 $_tile_overlayer_lowered  }
0x9b: {  	s22 =	simm.s32 $0x1BFF;
	s21 =	sshll.u32 s6, $0x1;
	s3 =	sadd.s32 s4, s19  }
0x9c: {  	s7 =	simm.s32 $0x0;
	s20 =	sshll.u32 s5, $0x1;
	s5 =	sadd.s32 s21, s3  }
0x9d: {  	[timem:s7], [sflag:s22] =	dma.local [hbm:s5], s20  }
0x9e: {  	_ =	swait.ge [sflag:s22], s20  }
0x9f: {  	s4 =	ssub.s32 $0x0, s20;
	[sflag:s22] =	ssyncset.done $0x0  }
0xa0: {  	[sflag:s22] =	ssyncadd.s32 s4;
	_ =	sdelay $0x1  }
0xa1: {  	s23 =	simm.s32 $0x1B8B  }
0xa2: {  	_ =	swait.ge [sflag:s23], $0x1  }
0xa3: {  	[sflag:s23] =	ssyncset.done $0x0  }
0xa4: {  	s25 =	simm.s32 $0x1B8E;
	s24 =	sld [smem:$0x3FFE];
	[sflag:s23] =	ssyncadd.s32 $0xFFFFFFFF  }
0xa5: {  	s26 =	simm.s32 $execute0_lowered;
	[smem:$0x3FD2] =	sst s25  }
0xa6: {  	s5 =	sshll.u32 s26, $0x1;
	_ =	strace $0x8000004C;
	[dreg:$0x1] =	wrdreg $0xFFFFFFFF  }
0xa7: {  	s28 =	simm.s32 $_size_execute0_lowered;
	s3 =	sadd.s32 s3, s5;
	[dreg:$0x0] =	wrdreg $0x0  }
0xa8: {  	s5 =	sshll.u32 s28, $0x1;
	[dreg:$0x2] =	wrdreg s3  }
0xa9: {  	[dreg:$0x3] =	wrdreg s5  }
0xaa: {  	[dreg:$0x4] =	wrdreg $0xC0  }
0xab: {  	_ =	task [dreg:s7], $0x5FFFF  }
0xac: {  	[dreg:$0x1] =	wrdreg $0xFFFFFFFF  }
0xad: {  	[dreg:$0x0] =	wrdreg $0x60  }
0xae: {  	[dreg:$0x2] =	wrdreg s2  }
0xaf: {  	[dreg:$0x3] =	wrdreg s24  }
0xb0: {  	[dreg:$0x4] =	wrdreg $0xB8000  }
0xb1: {  	[dreg:$0x5] =	wrdreg $0x9  }
0xb2: {  	_ =	task.clear_ibuf [dreg:s7], $0x6FFFF;
	_ =	strace $0x9000004C  }
0xb3: {  	s29 =	simm.s32 $0x9;
	_ =	strace $0x8000004E  }
0xb4: {  	_ =	swait.ge [sflag:s29], $0x1  }
0xb5: {  	[sflag:s29] =	ssyncadd.s32 $0xFFFFFFFF  }
0xb6: {  	_ =	strace $0x9000004E  }
0xb7: {  	_ =	sfence  }
0xb8: {  	s30 =	sld [smem:$0x0];
	_ =	sdelay $0x2  }
0xb9: {  	s31 =	sshll.u32 s1, $0xD;
	s1 =	sshrl.u32 s1, $0x2  }
0xba: {  	s3 =	sand.u32 $0x4000, s31;
	s1 =	sadd.s32 s1, s30  }
0xbb: {  	s0 =	sor.u32 s3, s0;
	s1 =	sshll.u32 s1, $0x11  }
0xbc: {  	s0 =	sor.u32 s1, s0  }
0xbd: {  	s0 =	sadd.s32 $0x8F2B, s0  }
0xbe: {  	[sflag:s0] =	ssyncadd.remote.s32 $0x1  }
0xbf: {  	_ =	sfence.sel $0xFFFF  }
0xc0: {  	[dreg:$0x0] =	wrdreg $0xFFFFFFFF;
	(pc) =	sbr.abs _section_cstart, $3  }
0xc1: {  	[dreg:$0x1] =	wrdreg $0xFFFFFFFF  }
0xc2: {  	_ =	task.clear_ibuf [dreg:s7], $0x2FFFF;
	_ =	strace $0x9FFFFFFF  }
0xc3: {  	(tm) =	ssettm $0x7FFFFFFF  }
tec
execute0_lowered:
.L_overlay_start_1:
0x0: {  	(tag) =	ssettag $0x1  }
0x1: {  	s1 =	rddreg [dreg:$0x0]  }
0x2: {  	s0 =	rddreg [dreg:$0x1]  }
0x3: {  	s2 =	rddreg [dreg:$0x2];
	s3 =	simm.s32 $0x0  }
0x4: {  	s5 =	srdreg.scid;
	s24 =	stileid.u32;
	s16 =	simm.s32 $0x9  }
0x5: {  	s20 =	simm.s32 $0x70;
	s28 =	simm.s32 $0x8;
	s29 =	simm.s32 $0x100  }
0x6: {  	s30 =	simm.s32 $0x8000;
	s31 =	simm.s32 $0x0;
	[smem:$0x7FF] =	sst s3  }
0x7: {  	s4 =	sadd.s32 $0xC400, s0;
	s6 =	sadd.s32 $0x1E400, s0;
	s7 =	sadd.s32 $0x2000, s0  }
0x8: {  	s5 =	sand.u32 $0x1, s5;
	s10 =	smul.u32 $0x50000, s24;
	s26 =	sshll.u32 s24, $0x6  }
0x9: {  	s17 =	smul.u32 $0x2800, s24;
	_ =	strace $0x8000004D;
	[dreg:$0x4] =	wrdreg s7  }
0xa: {  	s8 =	smul.u32 $0x28000, s5;
	s9 =	sshll.u32 s5, $0x4;
	s5 =	ssub.s32 $0x2, s5  }
0xb: {  	s9 =	sor.u32 s24, s9;
	s11 =	sshrl.u32 s5, $0x1;
	s25 =	sshrl.u32 s10, $0x2  }
0xc: {  	s0 =	sadd.s32 s8, s0;
	s8 =	smul.u32 $0x4800, s9;
	s5 =	ssub.s32 s5, s11  }
.Ltmp0:
0xd: {  	s15 =	sadd.s32 s25, s2;
	s9 =	sor.u32 $0x1C09, s26;
	(pc) =	sbr.rel .LBB2_1-.Ltmp0, $4  }
0xe: {  	s25 =	simm.s32 $0x6;
	s26 =	simm.s32 $0x7;
	s0 =	sadd.s32 $0x30400, s0  }
0xf: {  	s14 =	smax.u32 s5, $0x1;
	s15 =	sshrl.u32 s15, $0x3;
	s12 =	sshrl.u32 s8, $0x3  }
0x10: {  	s24 =	sadd.s32 s17, s0;
	s10 =	sadd.s32 s4, s12;
	s13 =	sor.u32 $0x80, s12  }
0x11: {  	s11 =	sadd.s32 s6, s12;
	s12 =	sadd.s32 s4, s13;
	s13 =	sadd.s32 s6, s13  }
.LBB2_10:
0x12: {  	_ =	swait.ge [sflag:s25], $0x3800  }
0x13: {  	[sflag:s25] =	ssyncset.done $0x0  }
0x14: {  	[sflag:s25] =	ssyncadd.s32 $0xFFFFC800  }
0x15: {  	_ =	swait.ge [sflag:s26], $0x3800  }
0x16: {  	[sflag:s26] =	ssyncset.done $0x0  }
0x17: {  	[sflag:s26] =	ssyncadd.s32 $0xFFFFC800  }
0x18: {  	_ =	swait.ge [sflag:s28], $0x3800  }
0x19: {  	s31 =	sadd.s32 $0x1, s31;
	[sflag:s28] =	ssyncset.done $0x0  }
0x1a: {  	p0 =	sne.s32 s31, s14;
	[sflag:s28] =	ssyncadd.s32 $0xFFFFC800  }
.Ltmp1:
0x1b: {  	[bflag:$0x0] =	sbarrier.arrive $0xFFFF;
	(pc) =	sbr.rel @!p0 .LBB2_11-.Ltmp1, $4  }
0x1c: {  	[hbm:s24], [sflag:s9] =	dma.local [spmem:s15], $0x2800  }
0x1d: {  	_ =	swait.ge [sflag:s16], $0x2800  }
0x1e: {  	[sflag:s16] =	ssyncset.done $0x0  }
0x1f: {  	[sflag:s16] =	ssyncadd.s32 $0xFFFFD800  }
.LBB2_1:
0x20: {  	s0 =	rddreg [dreg:$0x4]  }
0x21: {  	[spmem:s15], [sflag:s9] =	dma.local [hbm:s0], $0x2800  }
0x22: {  	_ =	swait.ge [sflag:s16], $0x2800  }
0x23: {  	[sflag:s16] =	ssyncset.done $0x0  }
0x24: {  	[sflag:s16] =	ssyncadd.s32 $0xFFFFD800  }
0x25: {  	[tilespmem:s3], [sflag:$0x9] =	stream.linear.gather [hbm4b:s10+s3], $0x280, $0x38;
	[tilespmem:$0x1F800] =	vst v63  }
0x26: {  	_ =	swait.ge [sflag:s16], $0x280  }
0x27: {  	[sflag:s16] =	ssyncset.done $0x0  }
0x28: {  	s18 =	simm.s32 $0x800;
	[sflag:s16] =	ssyncadd.s32 $0xFFFFFD80  }
0x29: {  	[tilespmem:s18], [sflag:$0x9] =	stream.linear.gather [hbm4b:s11+s3], $0x280, $0x38;
	[tilespmem:$0x1F800] =	vst v63  }
0x2a: {  	_ =	swait.ge [sflag:s16], $0x280  }
0x2b: {  	[sflag:s16] =	ssyncset.done $0x0  }
0x2c: {  	s19 =	simm.s32 $0x400;
	[sflag:s16] =	ssyncadd.s32 $0xFFFFFD80  }
0x2d: {  	[tilespmem:s19], [sflag:$0x2] =	stream.linear.gather [hbm4b:s12+s3], $0x280, $0x38;
	[tilespmem:$0x1F800] =	vst v63  }
0x2e: {  	s21 =	simm.s32 $0xC00  }
0x2f: {  	[tilespmem:s21], [sflag:$0x2] =	stream.linear.gather [hbm4b:s13+s3], $0x280, $0x38;
	[tilespmem:$0x1F800] =	vst v63  }
0x30: {  	s22 =	simm.s32 $0x1000;
	[bflag:$0x0] =	sbarrier.arrive $0xFFFF  }
0x31: {  	[tilespmem:s22], [sflag:$0x3] =	stream.indirect.gather [hbm4b:s1+s20], $0x80, s3, s20, $0xb8;
	[tilespmem:$0x1F800] =	vst v63  }
0x32: {  	s23 =	simm.s32 $0x80;
	s5 =	simm.s32 $0x4800;
	s0 =	simm.s32 $0x0  }
0x33: {  	[tilespmem:s5], [sflag:$0x4] =	stream.indirect.gather [hbm4b:s1+s20], $0x80, s23, s20, $0xb8;
	[tilespmem:$0x1F800] =	vst v63  }
.LBB2_2:
0x34: {  	s5 =	smul.u32 $0xAB, s0;
	_ =	sdelay $0x1  }
0x35: {  	s18 =	smul.u32 $0xCD, s0;
	s5 =	sshrl.u32 s5, $0x9  }
0x36: {  	s5 =	sand.u32 $0x7F, s5  }
0x37: {  	s22 =	sshrl.u32 s18, $0xA;
	s17 =	smul.u32 $0x3, s5  }
0x38: {  	s5 =	sand.u32 $0x3F, s22  }
0x39: {  	s19 =	smul.u32 $0x5, s5;
	s17 =	ssub.s32 s0, s17  }
0x3a: {  	s21 =	sand.u32 $0xFF, s17  }
0x3b: {  	p0 =	sgt.u32 s0, $0x54;
	s17 =	ssub.s32 s0, s19;
	s22 =	smul.u32 $0xE000, s21  }
0x3c: {  	s18 =	sand.u32 $0x400, s18;
	s19 =	sand.u32 $0xEF, s17;
	s23 =	sadd.s32 $0x3, s21  }
0x3d: {  	_ =	swait.ge [sflag:s23], $0x3800;
	s19 =	sshll.u32 s19, $0x7;
	s22 =	sshrl.u32 s22, $0x2  }
0x3e: {  	[sflag:s23] =	ssyncset.done $0x0;
	s18 =	sor.u32 s19, s18;
	s22 =	sadd.s32 $0x1000, s22  }
0x3f: {  	[sflag:s23] =	ssyncadd.s32 $0xFFFFC800;
	s18 =	sor.u32 $0x800, s18;
	s23 =	sadd.s32 $0x6, s21  }
0x40: {  	[spmem:s2] =	stream.indirect.scatter.add.f32 [tilespmem:s22], [sflag:s23], $0x80, s18, s20, $0xb8;
	[tilespmem:$0x1F800] =	vst v63  }
0x41: {  	s18 =	sand.u32 @!p0 $0xFF, s17  }
0x42: {  	p1 =	sne.s32 @!p0 s18, $0x3  }
0x43: {  	p0 =	por p0, p1  }
.Ltmp2:
0x44: {  	_ = 	snop;
	(pc) =	sbr.rel @p0 .LBB2_4-.Ltmp2, $2  }
0x45: {  	_ =	sdelay $0x2  }
0x46: {  	s18 =	sadd.s32 $0x1, s5  }
0x47: {  	s19 =	sand.u32 $0x1, s18  }
0x48: {  	s19 =	sadd.s32 $0x1, s19  }
0x49: {  	_ =	swait.ge [sflag:s19], $0x280  }
0x4a: {  	[sflag:s19] =	ssyncset.done $0x0  }
0x4b: {  	[sflag:s19] =	ssyncadd.s32 $0xFFFFFD80  }
0x4c: {  	_ =	swait.ge [sflag:s19], $0x280  }
0x4d: {  	[sflag:s19] =	ssyncset.done $0x0  }
0x4e: {  	[sflag:s19] =	ssyncadd.s32 $0xFFFFFD80  }
.LBB2_5:
0x4f: {  	s19 =	sadd.s32 $0x2, s0  }
0x50: {  	s21 =	sand.u32 $0xFF, s19  }
0x51: {  	s22 =	smul.u32 $0xAB, s21  }
0x52: {  	s21 =	smul.u32 $0xCD, s21  }
0x53: {  	s22 =	sshrl.u32 s22, $0x9  }
0x54: {  	s7 =	sshrl.u32 s21, $0xA;
	s22 =	smul.u32 $0x3, s22  }
0x55: {  	s7 =	smul.u32 $0x5, s7  }
0x56: {  	s22 =	ssub.s32 s19, s22  }
0x57: {  	s7 =	ssub.s32 s19, s7;
	s22 =	sand.u32 $0xFF, s22  }
0x58: {  	s7 =	sand.u32 $0xFF, s7;
	s23 =	smul.u32 $0xE000, s22;
	s19 =	sadd.s32 $0x6, s22  }
0x59: {  	s21 =	sand.u32 $0x400, s21;
	s7 =	sshll.u32 s7, $0x7;
	_ =	swait.ge [sflag:s19], $0x3800  }
0x5a: {  	s22 =	sadd.s32 $0x3, s22;
	s23 =	sshrl.u32 s23, $0x2;
	[sflag:s19] =	ssyncset.done $0x0  }
0x5b: {  	s7 =	sor.u32 s7, s21;
	s23 =	sadd.s32 $0x1000, s23;
	[sflag:s19] =	ssyncadd.s32 $0xFFFFC800  }
0x5c: {  	[tilespmem:s23], [sflag:s22] =	stream.indirect.gather [hbm4b:s1+s20], $0x80, s7, s20, $0xb8;
	[tilespmem:$0x1F800] =	vst v63  }
.LBB2_6:
0x5d: {  	s7 =	sand.u32 $0xFF, s17  }
0x5e: {  	s5 =	sadd.s32 $0xFFFFFFFF, s5;
	p0 =	sne.s32 s7, $0x0  }
0x5f: {  	p1 =	sgt.u32 @!p0 s5, $0xF  }
0x60: {  	p0 =	por p1, p0  }
0x61: {  	s5 =	sshll.u32 @!p0 s18, $0xA  }
0x62: {  	s5 =	sadd.s32 @!p0 s8, s5  }
0x63: {  	s7 =	sand.u32 @!p0 $0x1, s18;
	s19 =	simm.s32 @!p0 $0x0;
	s5 =	sshrl.u32 @!p0 s5, $0x3  }
0x64: {  	s17 =	sadd.s32 @!p0 $0x1, s7;
	s7 =	sshll.u32 @!p0 s7, $0xA;
	s18 =	sadd.s32 @!p0 s4, s5  }
0x65: {  	[tilespmem:s7], [sflag:s17] =	stream.linear.gather @!p0 [hbm4b:s18+s19], $0x280, $0x38;
	[tilespmem:$0x1F800] =	vst v63  }
0x66: {  	s5 =	sadd.s32 @!p0 s6, s5;
	s7 =	sor.u32 @!p0 $0x800, s7  }
0x67: {  	[tilespmem:s7], [sflag:s17] =	stream.linear.gather @!p0 [hbm4b:s5+s19], $0x280, $0x38;
	[tilespmem:$0x1F800] =	vst v63  }
.LBB2_9:
0x68: {  	s0 =	sadd.s32 $0x1, s0  }
0x69: {  	p0 =	sne.s32 s0, $0x5A  }
.Ltmp3:
0x6a: {  	_ = 	snop;
	(pc) =	sbr.rel @p0 .LBB2_2-.Ltmp3, $4  }
.Ltmp4:
0x6b: {  	_ = 	snop;
	(pc) =	sbr.rel @!p0 .LBB2_10-.Ltmp4, $4  }
0x6c: {  	_ = 	snop  }
0x6d: {  	_ = 	snop  }
0x6e: {  	_ = 	snop  }
0x6f: {  	_ = 	snop  }
.LBB2_4:
0x70: {  	s19 =	sadd.s32 $0xFFFFFFFF, s0  }
0x71: {  	p0 =	sgt.u32 s19, $0x56  }
.Ltmp5:
0x72: {  	_ = 	snop;
	(pc) =	sbr.rel @!p0 .LBB2_5-.Ltmp5, $1  }
0x73: {  	_ =	sdelay $0x3  }
0x74: {  	p0 =	sne.s32 s0, $0x0  }
.Ltmp6:
0x75: {  	_ = 	snop;
	(pc) =	sbr.rel @p0 .LBB2_6-.Ltmp6, $1  }
0x76: {  	_ =	sdelay $0x3  }
.Ltmp7:
0x77: {  	(pc) =	sbr.rel .LBB2_9-.Ltmp7, $2  }
0x78: {  	_ =	sdelay $0x2  }
0x79: {  	[tilespmem:s30], [sflag:$0x5] =	stream.indirect.gather [hbm4b:s1+s20], $0x80, s29, s20, $0xb8;
	[tilespmem:$0x1F800] =	vst v63  }
.LBB2_11:
0x7a: {  	_ =	sfence.sel $0x180000  }
0x7b: {  	[bflag:$0x0] =	sbarrier.arrive $0xFFFF  }
0x7c: {  	_ =	strace $0x9000004D  }
0x7d: {  	s0 =	stileid.u32;
	[bflag:$0x2] =	sbarrier.arrive $0xFFFF  }
0x7e: {  	p0 =	sne.s32 s0, $0x0;
	s0 =	rddreg [dreg:$0x3]  }
0x7f: {  	s0 =	sadd.s32 @!p0 $0x100000, s0  }
0x80: {  	[sflag:s0] =	ssyncadd.tile.s32 @!p0 $0x1;
	_ =	shalt  }
.Lfunc_end2:
_tile_overlayer_lowered:
.L_overlay_start_2:
0x81: {  	(tag) =	ssettag $0x2  }
0x82: {  	s0 =	rddreg [dreg:$0x0];
	s2 =	stileid.u32  }
0x83: {  	s1 =	rddreg [dreg:$0x1];
	p0 =	sne.s32 s2, $0x0  }
0x84: {  	s3 =	rddreg [dreg:$0x2];
	[bflag:$0x3] =	sbarrier.arrive $0xFFFF;
	s2 =	simm.s32 @!p0 $0x1C09  }
0x85: {  	[timem:s3], [sflag:s2] =	dma.local @!p0 [hbm:s0], s1  }
0x86: {  	s0 =	simm.s32 @!p0 $0x9  }
0x87: {  	_ =	swait.ge @!p0 [sflag:s0], s1  }
0x88: {  	s1 =	ssub.s32 @!p0 $0x0, s1;
	[sflag:s0] =	ssyncset.done @!p0 $0x0  }
0x89: {  	[sflag:s0] =	ssyncadd.s32 @!p0 s1  }
0x8a: {  	[bflag:$0x3] =	sbarrier.arrive $0xFFFF  }
0x8b: {  	_ =	shalt  }

// kernel: kernel.9.cloned.1.call-start
scs
__scs_entry_jumppad:
0x0: {  	(pc) =	sbr.rel $0x88, $3  }
0x1: {  	(tag) =	ssettag $0x0;
	lr =	simm.s32 $0x1  }
0x2: {  	[smem:$0x3F9D] =	sst lr;
	_ =	strace $0xD0000000  }
0x3: {  	_ = 	snop  }
0x4: {  	_ = 	snop  }
0x5: {  	_ = 	snop  }
0x6: {  	_ = 	snop  }
0x7: {  	_ = 	snop  }
__scs_overlays_trampoline_lowered:
0x8: {  	[smem:$0x3FAC] =	sst s0  }
0x9: {  	[smem:$0x3FAD] =	sst s1  }
0xa: {  	[smem:$0x3FAE] =	sst s2  }
0xb: {  	[smem:$0x3FAF] =	sst s3  }
0xc: {  	[smem:$0x3FB0] =	sst s4  }
0xd: {  	[smem:$0x3FB1] =	sst s5  }
0xe: {  	[smem:$0x3FB2] =	sst s6  }
0xf: {  	[smem:$0x3FB3] =	sst s7  }
0x10: {  	[smem:$0x3FB4] =	sst s8  }
0x11: {  	[smem:$0x3FB5] =	sst s9;
	s0 =	simm.s32 @!p0 $0x0  }
0x12: {  	s1 =	sld [smem:$0x3F9B];
	s0 =	simm.s32 @p0 $0x1  }
0x13: {  	[smem:$0x3FB6] =	sst s0;
	s0 =	simm.s32 @!p1 $0x0  }
0x14: {  	s2 =	sld [smem:$0x3F9A];
	s0 =	simm.s32 @p1 $0x1  }
0x15: {  	[smem:$0x3FB7] =	sst s0;
	s0 =	simm.s32 @!p2 $0x0  }
0x16: {  	s3 =	sld [smem:$0x3FDB];
	s0 =	simm.s32 @p2 $0x1  }
0x17: {  	s4 =	simm.s32 $0x1BF5;
	[smem:$0x3FB9] =	sst s0  }
0x18: {  	s0 =	sld [smem:$0x3F9C];
	_ =	swait.ge [sflag:s4], $0x0  }
0x19: {  	s7 =	sld [smem:$0x3F9D]  }
0x1a: {  	s8 =	sadd.s32 $0xFFFFE003, lr  }
0x1b: {  	s9 =	sadd.s32 $0xFFFFFEF7, lr;
	s5 =	simm.s32 $0xFFFFFFFF;
	p2 =	slt.u32 s8, $0xFFFFF086  }
0x1c: {  	p1 =	slt.u32 s9, $0xF7A;
	s5 =	simm.s32 @!p2 $0x0  }
0x1d: {  	s5 =	simm.s32 @p1 $0x1;
	p0 =	seq.s32 s7, s2  }
0x1e: {  	s7 =	smul.u32 @!p0 $0xF7A, s2;
	p2 =	seq.s32 @!p0 s5, $0x0  }
0x1f: {  	s9 =	smul.u32 $0xF7A, s1;
	s8 =	simm.s32 @!p0 $0x1BF5;
	p2 =	por !p2, p0  }
0x20: {  	[sflag:s8] =	ssyncset.s32 @!p0 $0xFFFFF086;
	s6 =	sadd.s32 @!p0 s3, s7;
	s7 =	simm.s32 @!p0 $0x108  }
0x21: {  	s3 =	sadd.s32 s3, s9;
	s6 =	sadd.s32 @!p0 $0x88, s6;
	s7 =	simm.s32 @p2 $0x1082  }
0x22: {  	[simem:s7], [sflag:s8] =	dma.local @!p0 [hbm:s6], $0xF7A  }
0x23: {  	s9 =	sor.u32 $0xD0000000, s2;
	s6 =	simm.s32 $0x108;
	_ =	swait.ge @!p0 [sflag:s8], $0x0  }
0x24: {  	s3 =	sadd.s32 $0x88, s3;
	s6 =	simm.s32 @!p1 $0x1082;
	[sflag:s4] =	ssyncset.s32 $0xFFFFF086  }
0x25: {  	[simem:s6], [sflag:s4] =	dma.local [hbm:s3], $0xF7A  }
0x26: {  	[smem:$0x3F9D] =	sst s1;
	(tag) =	ssettag s2;
	_ =	strace s9  }
0x27: {  	s1 =	sld [smem:$0x3FAD]  }
0x28: {  	s2 =	sld [smem:$0x3FAE]  }
0x29: {  	s4 =	sld [smem:$0x3FB0]  }
0x2a: {  	p0 =	seq.s32 s5, $0x0;
	s5 =	sld [smem:$0x3FB1]  }
0x2b: {  	s6 =	sld [smem:$0x3FB2]  }
0x2c: {  	s7 =	sld [smem:$0x3FB3]  }
0x2d: {  	s3 =	simm.s32 $0x108;
	s8 =	sld [smem:$0x3FB4]  }
0x2e: {  	s3 =	simm.s32 @!p0 $0x1082;
	s9 =	sld [smem:$0x3FB5]  }
0x2f: {  	lr =	sadd.s32 s0, s3;
	s0 =	sld [smem:$0x3FAC]  }
0x30: {  	s3 =	sld [smem:$0x3FAF]  }
0x31: {  	[smem:$0x3FB8] =	sst s10  }
0x32: {  	s10 =	sld [smem:$0x3FB6];
	_ =	sdelay $0x3  }
0x33: {  	p0 =	seq.s32 s10, $0x1;
	s10 =	sld [smem:$0x3FB8];
	_ =	sdelay $0x3  }
0x34: {  	[smem:$0x3FB8] =	sst s10  }
0x35: {  	s10 =	sld [smem:$0x3FB7];
	_ =	sdelay $0x3  }
0x36: {  	p1 =	seq.s32 s10, $0x1;
	s10 =	sld [smem:$0x3FB8];
	_ =	sdelay $0x3  }
0x37: {  	[smem:$0x3FB8] =	sst s10  }
0x38: {  	s10 =	sld [smem:$0x3FB9]  }
0x39: {  	_ = 	snop;
	(pc) =	sbr.ind lr, $3  }
0x3a: {  	_ = 	snop  }
0x3b: {  	_ = 	snop  }
0x3c: {  	p2 =	seq.s32 s10, $0x1;
	s10 =	sld [smem:$0x3FB8]  }
0x3d: {  	_ =	shalt  }
0x3e: {  	_ =	shalt  }
0x3f: {  	_ =	shalt  }
0x40: {  	_ =	shalt  }
0x41: {  	_ =	shalt  }
0x42: {  	_ =	shalt  }
0x43: {  	_ =	shalt  }
0x44: {  	_ =	shalt  }
0x45: {  	_ =	shalt  }
0x46: {  	_ =	shalt  }
0x47: {  	_ =	shalt  }
0x48: {  	_ =	shalt  }
0x49: {  	_ =	shalt  }
0x4a: {  	_ =	shalt  }
0x4b: {  	_ =	shalt  }
0x4c: {  	_ =	shalt  }
0x4d: {  	_ =	shalt  }
0x4e: {  	_ =	shalt  }
0x4f: {  	_ =	shalt  }
0x50: {  	_ =	shalt  }
0x51: {  	_ =	shalt  }
0x52: {  	_ =	shalt  }
0x53: {  	_ =	shalt  }
0x54: {  	_ =	shalt  }
0x55: {  	_ =	shalt  }
0x56: {  	_ =	shalt  }
0x57: {  	_ =	shalt  }
0x58: {  	_ =	shalt  }
0x59: {  	_ =	shalt  }
0x5a: {  	_ =	shalt  }
0x5b: {  	_ =	shalt  }
0x5c: {  	_ =	shalt  }
0x5d: {  	_ =	shalt  }
0x5e: {  	_ =	shalt  }
0x5f: {  	_ =	shalt  }
0x60: {  	_ =	shalt  }
0x61: {  	_ =	shalt  }
0x62: {  	_ =	shalt  }
0x63: {  	_ =	shalt  }
0x64: {  	_ =	shalt  }
0x65: {  	_ =	shalt  }
0x66: {  	_ =	shalt  }
0x67: {  	_ =	shalt  }
0x68: {  	_ =	shalt  }
0x69: {  	_ =	shalt  }
0x6a: {  	_ =	shalt  }
0x6b: {  	_ =	shalt  }
0x6c: {  	_ =	shalt  }
0x6d: {  	_ =	shalt  }
0x6e: {  	_ =	shalt  }
0x6f: {  	_ =	shalt  }
0x70: {  	_ =	shalt  }
0x71: {  	_ =	shalt  }
0x72: {  	_ =	shalt  }
0x73: {  	_ =	shalt  }
0x74: {  	_ =	shalt  }
0x75: {  	_ =	shalt  }
0x76: {  	_ =	shalt  }
0x77: {  	_ =	shalt  }
0x78: {  	_ =	shalt  }
0x79: {  	_ =	shalt  }
0x7a: {  	_ =	shalt  }
0x7b: {  	_ =	shalt  }
0x7c: {  	_ =	shalt  }
0x7d: {  	_ =	shalt  }
0x7e: {  	_ =	shalt  }
0x7f: {  	_ =	shalt  }
0x80: {  	_ =	shalt  }
0x81: {  	_ =	shalt  }
0x82: {  	_ =	shalt  }
0x83: {  	_ =	shalt  }
0x84: {  	_ =	shalt  }
0x85: {  	_ =	shalt  }
0x86: {  	_ =	shalt  }
0x87: {  	_ =	shalt  }
.Lfunc_end0:
.L_simem_size_0:
called_computation_lowered:
.L_overlay_start_0:
0x88: {  	s2 =	sld [smem:$0x3FD9]  }
0x89: {  	s3 =	sld [smem:$0x3FFE];
	_ =	sdelay $0x1  }
0x8a: {  	s1 =	srdreg.scid  }
0x8b: {  	s0 =	sand.u32 $0x1, s1  }
0x8c: {  	s17 =	sshll.u32 s0, $0xA;
	s2 =	sadd.s32 s3, s2  }
0x8d: {  	s2 =	sadd.s32 s2, s17  }
0x8e: {  	[smem:$0x3FC4] =	sst s2  }
0x8f: {  	_ = 	snop  }
0x90: {  	s2 =	sld [smem:$0x3FD0];
	(tm) =	ssettm $0x1  }
0x91: {  	s18 =	sld [smem:$0x3FFB];
	_ =	sdelay $0x3  }
0x92: {  	_ =	strace s18  }
0x93: {  	s3 =	sld [smem:$0x3FFC];
	_ =	sdelay $0x3  }
0x94: {  	_ =	strace s3  }
0x95: {  	s3 =	sld [smem:$0x3FFD];
	_ =	sdelay $0x3  }
0x96: {  	_ =	strace s3  }
0x97: {  	_ =	strace $0x8FFFFFFF  }
0x98: {  	s19 =	sld [smem:$0x3FDB];
	_ =	sdelay $0x1  }
0x99: {  	s4 =	simm.s32 $_scs_section_size  }
0x9a: {  	s5 =	simm.s32 $_size__tile_overlayer_lowered;
	s6 =	simm.s32 $_tile_overlayer_lowered  }
0x9b: {  	s22 =	simm.s32 $0x1BFF;
	s21 =	sshll.u32 s6, $0x1;
	s3 =	sadd.s32 s4, s19  }
0x9c: {  	s7 =	simm.s32 $0x0;
	s20 =	sshll.u32 s5, $0x1;
	s5 =	sadd.s32 s21, s3  }
0x9d: {  	[timem:s7], [sflag:s22] =	dma.local [hbm:s5], s20  }
0x9e: {  	_ =	swait.ge [sflag:s22], s20  }
0x9f: {  	s4 =	ssub.s32 $0x0, s20;
	[sflag:s22] =	ssyncset.done $0x0  }
0xa0: {  	[sflag:s22] =	ssyncadd.s32 s4;
	_ =	sdelay $0x1  }
0xa1: {  	s23 =	simm.s32 $0x1B8B  }
0xa2: {  	_ =	swait.ge [sflag:s23], $0x1  }
0xa3: {  	[sflag:s23] =	ssyncset.done $0x0  }
0xa4: {  	s25 =	simm.s32 $0x1B8E;
	s24 =	sld [smem:$0x3FFE];
	[sflag:s23] =	ssyncadd.s32 $0xFFFFFFFF  }
0xa5: {  	s26 =	simm.s32 $execute0_lowered;
	[smem:$0x3FD2] =	sst s25  }
0xa6: {  	s5 =	sshll.u32 s26, $0x1;
	_ =	strace $0x80000046;
	[dreg:$0x1] =	wrdreg $0xFFFFFFFF  }
0xa7: {  	s28 =	simm.s32 $_size_execute0_lowered;
	s3 =	sadd.s32 s3, s5;
	[dreg:$0x0] =	wrdreg $0x0  }
0xa8: {  	s5 =	sshll.u32 s28, $0x1;
	[dreg:$0x2] =	wrdreg s3  }
0xa9: {  	[dreg:$0x3] =	wrdreg s5  }
0xaa: {  	[dreg:$0x4] =	wrdreg $0xC0  }
0xab: {  	_ =	task [dreg:s7], $0x5FFFF  }
0xac: {  	[dreg:$0x1] =	wrdreg $0xFFFFFFFF  }
0xad: {  	[dreg:$0x0] =	wrdreg $0x60  }
0xae: {  	[dreg:$0x2] =	wrdreg s24  }
0xaf: {  	[dreg:$0x3] =	wrdreg s2  }
0xb0: {  	[dreg:$0x4] =	wrdreg $0x9  }
0xb1: {  	_ =	task.clear_ibuf [dreg:s7], $0x5FFFF;
	_ =	strace $0x90000046  }
0xb2: {  	s29 =	simm.s32 $0x9;
	_ =	strace $0x80000048  }
0xb3: {  	_ =	swait.ge [sflag:s29], $0x1  }
0xb4: {  	[sflag:s29] =	ssyncadd.s32 $0xFFFFFFFF  }
0xb5: {  	_ =	strace $0x90000048  }
0xb6: {  	_ =	sfence  }
0xb7: {  	s30 =	sld [smem:$0x0];
	_ =	sdelay $0x2  }
0xb8: {  	s31 =	sshll.u32 s1, $0xD;
	s1 =	sshrl.u32 s1, $0x2  }
0xb9: {  	s3 =	sand.u32 $0x4000, s31;
	s1 =	sadd.s32 s1, s30  }
0xba: {  	s0 =	sor.u32 s3, s0;
	s1 =	sshll.u32 s1, $0x11  }
0xbb: {  	s0 =	sor.u32 s1, s0  }
0xbc: {  	s0 =	sadd.s32 $0x8F2B, s0  }
0xbd: {  	[sflag:s0] =	ssyncadd.remote.s32 $0x1  }
0xbe: {  	_ =	sfence.sel $0xFFFF  }
0xbf: {  	[dreg:$0x0] =	wrdreg $0xFFFFFFFF;
	(pc) =	sbr.abs _section_cstart, $3  }
0xc0: {  	[dreg:$0x1] =	wrdreg $0xFFFFFFFF  }
0xc1: {  	_ =	task.clear_ibuf [dreg:s7], $0x2FFFF;
	_ =	strace $0x9FFFFFFF  }
0xc2: {  	(tm) =	ssettm $0x7FFFFFFF  }
0xc3: {  	_ =	shalt  }
tec
execute0_lowered:
.L_overlay_start_1:
0x0: {  	(tag) =	ssettag $0x1  }
0x1: {  	s0 =	srdreg.scid;
	s3 =	rddreg [dreg:$0x0]  }
0x2: {  	s5 =	rddreg [dreg:$0x1];
	s1 =	stileid.u32  }
0x3: {  	s9 =	simm.s32 $0x80;
	s10 =	simm.s32 $0x400;
	s4 =	sand.u32 $0x1, s0  }
0x4: {  	s11 =	simm.s32 $0x0;
	s8 =	sshll.u32 s1, $0x7;
	s2 =	sshll.u32 s4, $0x4  }
0x5: {  	s0 =	rddreg [dreg:$0x2];
	s8 =	sand.u32 $0x380, s8;
	s6 =	sor.u32 s1, s2  }
0x6: {  	s2 =	simm.s32 $0x0;
	s7 =	smul.u32 $0x4E2, s6;
	s6 =	sshrl.u32 s6, $0x3  }
0x7: {  	s4 =	ssub.s32 $0x2, s4;
	[smem:$0x7FF] =	sst s2;
	s6 =	smul.u32 $0x14000, s6  }
0x8: {  	s31 =	sshrl.u32 s4, $0x1;
	_ =	strace $0x80000047;
	s7 =	sadd.s32 s7, s3  }
0x9: {  	s3 =	sadd.s32 $0xBE00, s3;
	s6 =	sor.u32 s8, s6;
	s8 =	ssub.s32 s4, s31  }
0xa: {  	s4 =	sadd.s32 $0x2000, s7;
	s7 =	simm.s32 $0x1;
	s6 =	sshrl.u32 s6, $0x3  }
0xb: {  	v0 =	vimm.f32 $1.000000000e+00;
	s5 =	sadd.s32 s5, s6;
	s6 =	smax.u32 s8, $0x1;
	s8 =	simm.s32 $0x2780  }
.LBB2_1:
0xc: {  	[tilespmem:s2], [sflag:$0x1] =	stream.linear.gather [hbm4b:s4+s2], $0x2710, $0x38;
	[tilespmem:$0x4F80] =	vst v63  }
0xd: {  	_ =	swait.ge [sflag:s7], $0x2710  }
0xe: {  	[sflag:s7] =	ssyncset.done $0x0  }
0xf: {  	[sflag:s7] =	ssyncadd.s32 $0xFFFFD8F0  }
0x10: {  	[tilespmem:s8], [sflag:$0x1] =	stream.linear.gather [hbm4b:s3+s2], $0x2800, $0x38;
	[tilespmem:$0x4F80] =	vst v63  }
0x11: {  	_ =	swait.ge [sflag:s7], $0x2800  }
0x12: {  	[sflag:s7] =	ssyncset.done $0x0  }
0x13: {  	s13 =	simm.s32 $0x0;
	s12 =	simm.s32 $0x40;
	[sflag:s7] =	ssyncadd.s32 $0xFFFFD800  }
.LBB2_2:
0x14: {  	p0 =	sne.s32 s12, $0x9C00;
	v1 =	vld [tilespmem:s13+$0x0];
	_ =	sdelay $0x3  }
.Ltmp0:
0x15: {  	(pc) =	sbr.rel @p0 .LBB2_2-.Ltmp0, $2  }
0x16: {  	_ =	sdelay $0x2  }
0x17: {  	s13 =	sshra.s32 s12, $0x2;
	s12 =	sadd.s32 $0x40, s12;
	[tilespmem:v1+s8+$0x0] =	vst.idx.add.f32.msk $0xffff, v0  }
0x18: {  	v1 =	vld [tilespmem:s13+$0x0];
	_ =	sdelay $0x5  }
0x19: {  	s11 =	sadd.s32 $0x1, s11  }
0x1a: {  	p0 =	sne.s32 s11, s6  }
.Ltmp1:
0x1b: {  	[tilespmem:v1+s8+$0x0] =	vst.idx.add.f32.msk $0xffff, v0;
	(pc) =	sbr.rel @p0 .LBB2_1-.Ltmp1, $4  }
0x1c: {  	[hbm4b:s5+s9] =	stream.strided.scatter [tilespmem:s8], [sflag:$0x1], $0x2800, s10, s9, $0x38;
	[tilespmem:$0x4F80] =	vst v63  }
0x1d: {  	_ =	swait.ge [sflag:s7], $0x2800  }
0x1e: {  	[sflag:s7] =	ssyncset.done $0x0  }
0x1f: {  	[sflag:s7] =	ssyncadd.s32 $0xFFFFD800  }
0x20: {  	_ =	sfence.sel $0x180000  }
0x21: {  	[bflag:$0x0] =	sbarrier.arrive $0xFFFF  }
0x22: {  	p0 =	sne.s32 s1, $0x0;
	_ =	strace $0x90000047  }
0x23: {  	s0 =	sadd.s32 @!p0 $0x100000, s0;
	[bflag:$0x2] =	sbarrier.arrive $0xFFFF  }
0x24: {  	[sflag:s0] =	ssyncadd.tile.s32 @!p0 $0x1;
	_ =	shalt  }
.Lfunc_end2:
_tile_overlayer_lowered:
.L_overlay_start_2:
0x25: {  	(tag) =	ssettag $0x2  }
0x26: {  	s0 =	rddreg [dreg:$0x0];
	s2 =	stileid.u32  }
0x27: {  	s1 =	rddreg [dreg:$0x1];
	p0 =	sne.s32 s2, $0x0  }
0x28: {  	s3 =	rddreg [dreg:$0x2];
	[bflag:$0x3] =	sbarrier.arrive $0xFFFF;
	s2 =	simm.s32 @!p0 $0x1C01  }
0x29: {  	[timem:s3], [sflag:s2] =	dma.local @!p0 [hbm:s0], s1  }
0x2a: {  	s0 =	simm.s32 @!p0 $0x1  }
0x2b: {  	_ =	swait.ge @!p0 [sflag:s0], s1  }
0x2c: {  	s1 =	ssub.s32 @!p0 $0x0, s1;
	[sflag:s0] =	ssyncset.done @!p0 $0x0  }
0x2d: {  	[sflag:s0] =	ssyncadd.s32 @!p0 s1  }
0x2e: {  	[bflag:$0x3] =	sbarrier.arrive $0xFFFF  }
0x2f: {  	_ =	shalt  }

</sc_bundles>
